<compile_context>
chip_gen: v7x
topology: tpu7x:2x2x1
jax: 0.10.2.dev20260603
libtpu: 0.0.44.dev20260713+nightly
codegen_flags: <defaults>
</compile_context>

<pallas_src>
import jax
import jax.numpy as jnp
from jax import lax
from jax.experimental import pallas as pl
from jax.experimental.pallas import tpu as pltpu
from jax.experimental.pallas import tpu_sc as plsc

N_NODES = 10000
N_FEAT = 128
N_EDGES = 320000
N_GRAPHS = 128
N_CLASSES = 10

NC = 2
NT = 16
L = 16
FW = 128
CH = 128
K = 80
E_PAD = NC * NT * K * CH
N_PAD = 10240
NODE_CHUNKS = 5
ZB = 64
PR = 136
G_PER_TILE = N_GRAPHS // NT


def _mm_body(x_ref, w_ref, o_ref):
    o_ref[...] = jnp.dot(x_ref[...], w_ref[...],
                         preferred_element_type=jnp.float32)


def _project(xp, wp):
    return pl.pallas_call(
        _mm_body,
        out_shape=jax.ShapeDtypeStruct((N_PAD, FW), jnp.float32),
    )(xp, wp)


def _add_body(x_ref, o_ref):
    o_ref[...] = (x_ref[pl.ds(0, N_PAD), :] + x_ref[pl.ds(N_PAD, N_PAD), :])


def _combine(hp):
    return pl.pallas_call(
        _add_body,
        out_shape=jax.ShapeDtypeStruct((N_PAD, FW), jnp.float32),
    )(hp)


def _fin_body(p_ref, c_ref, b_ref, o_ref):
    pool = (p_ref[pl.ds(0, N_GRAPHS), pl.ds(0, L)]
            + p_ref[pl.ds(N_GRAPHS, N_GRAPHS), pl.ds(0, L)])
    cnt = jnp.maximum(c_ref[:, pl.ds(0, L)], 1.0)
    o_ref[...] = pool / cnt + b_ref[...]


def _finalize(poolp, cntp, bp2):
    return pl.pallas_call(
        _fin_body,
        out_shape=jax.ShapeDtypeStruct((N_GRAPHS, L), jnp.float32),
    )(poolp, cntp, bp2)


def _zero_phase(zbuf, zeros_hbm, acc_s, base):
    pltpu.sync_copy(zeros_hbm, zbuf)

    @pl.loop(0, 2 * NODE_CHUNKS)
    def _zero_acc(i):
        pltpu.sync_copy(zbuf, acc_s.at[pl.ds(base + i * ZB, ZB)])


def _propagate(src_hbm, row_hbm, col_hbm, acc_s, wid,
               col_v0, row_v0, col_v1, row_v1, gbuf0, gbuf1,
               gsem0, gsem1, ssem0, ssem1, isem0, isem1):
    ebase = wid * K * CH

    def _idx_start(eoff, col_v, row_v, isem):
        pltpu.async_copy(col_hbm.at[pl.ds(eoff, CH)], col_v, isem)
        pltpu.async_copy(row_hbm.at[pl.ds(eoff, CH)], row_v, isem)

    def _idx_wait(eoff, col_v, row_v, isem):
        pltpu.make_async_copy(col_hbm.at[pl.ds(eoff, CH)], col_v, isem).wait()
        pltpu.make_async_copy(row_hbm.at[pl.ds(eoff, CH)], row_v, isem).wait()

    _idx_start(ebase, col_v0, row_v0, isem0)
    _idx_wait(ebase, col_v0, row_v0, isem0)
    pltpu.async_copy(src_hbm.at[col_v0], gbuf0, gsem0)

    @pl.loop(0, K, step=2)
    def _pair(j):
        @pl.when(j > 0)
        def _drain1():
            pltpu.make_async_copy(gbuf1, acc_s.at[row_v1], ssem1).wait()

        eoff1 = (wid * K + j + 1) * CH
        _idx_start(eoff1, col_v1, row_v1, isem1)
        pltpu.make_async_copy(src_hbm.at[col_v0], gbuf0, gsem0).wait()
        pltpu.async_copy(gbuf0, acc_s.at[row_v0], ssem0, add=True)
        _idx_wait(eoff1, col_v1, row_v1, isem1)
        pltpu.async_copy(src_hbm.at[col_v1], gbuf1, gsem1)

        pltpu.make_async_copy(gbuf0, acc_s.at[row_v0], ssem0).wait()
        eoff2 = (wid * K + j + 2) * CH

        @pl.when(j + 2 < K)
        def _idx2_start():
            _idx_start(eoff2, col_v0, row_v0, isem0)

        pltpu.make_async_copy(src_hbm.at[col_v1], gbuf1, gsem1).wait()
        pltpu.async_copy(gbuf1, acc_s.at[row_v1], ssem1, add=True)

        @pl.when(j + 2 < K)
        def _idx2_wait():
            _idx_wait(eoff2, col_v0, row_v0, isem0)
            pltpu.async_copy(src_hbm.at[col_v0], gbuf0, gsem0)

    pltpu.make_async_copy(gbuf1, acc_s.at[row_v1], ssem1).wait()


def _sc_layer_body(src_hbm, row_hbm, col_hbm, zeros_hbm, hp_hbm,
                   acc_s,
                   col_v0, row_v0, col_v1, row_v1,
                   gbuf0, gbuf1, zbuf,
                   gsem0, gsem1, ssem0, ssem1, isem0, isem1):
    cid = lax.axis_index("c")
    sid = lax.axis_index("s")
    wid = sid * NC + cid
    base = sid * (N_PAD // NT)

    _zero_phase(zbuf, zeros_hbm, acc_s, base)
    plsc.subcore_barrier()
    _propagate(src_hbm, row_hbm, col_hbm, acc_s, wid,
               col_v0, row_v0, col_v1, row_v1, gbuf0, gbuf1,
               gsem0, gsem1, ssem0, ssem1, isem0, isem1)
    plsc.subcore_barrier()

    @pl.loop(0, NODE_CHUNKS)
    def _dump(i):
        span = pl.ds(base + i * CH, CH)
        pltpu.sync_copy(acc_s.at[span], gbuf0)
        pltpu.sync_copy(gbuf0, hp_hbm.at[pl.ds(cid * N_PAD + base + i * CH, CH)])


def _sc_layer(src, rowp, colp, zconst):
    mesh = plsc.VectorSubcoreMesh(
        core_axis_name="c", subcore_axis_name="s",
        num_cores=NC, num_subcores=NT)
    f = pl.kernel(
        _sc_layer_body,
        out_type=jax.ShapeDtypeStruct((NC * N_PAD, FW), jnp.float32),
        mesh=mesh,
        scratch_types=[
            pltpu.VMEM_SHARED((N_PAD, FW), jnp.float32),
            pltpu.VMEM((CH,), jnp.int32),
            pltpu.VMEM((CH,), jnp.int32),
            pltpu.VMEM((CH,), jnp.int32),
            pltpu.VMEM((CH,), jnp.int32),
            pltpu.VMEM((CH, FW), jnp.float32),
            pltpu.VMEM((CH, FW), jnp.float32),
            pltpu.VMEM((ZB, FW), jnp.float32),
            pltpu.SemaphoreType.DMA,
            pltpu.SemaphoreType.DMA,
            pltpu.SemaphoreType.DMA,
            pltpu.SemaphoreType.DMA,
            pltpu.SemaphoreType.DMA,
            pltpu.SemaphoreType.DMA,
        ],
    )
    return f(src, rowp, colp, zconst)


def _sc_layer2_body(src_hbm, row_hbm, col_hbm, bat_hbm, zeros_hbm, ones_hbm,
                    poolp_hbm, cntp_hbm,
                    acc_s, pool_s, cnt_s,
                    col_v0, row_v0, col_v1, row_v1, bat_v,
                    gbuf0, gbuf1, zbuf, pbuf,
                    gsem0, gsem1, ssem0, ssem1, isem0, isem1):
    cid = lax.axis_index("c")
    sid = lax.axis_index("s")
    wid = sid * NC + cid
    base = sid * (N_PAD // NT)

    _zero_phase(zbuf, zeros_hbm, acc_s, base)

    @pl.when(sid == 0)
    def _zero_pool():
        pltpu.sync_copy(zbuf, pool_s.at[pl.ds(0, ZB)])
        pltpu.sync_copy(zbuf, pool_s.at[pl.ds(ZB, ZB)])
        pltpu.sync_copy(zbuf.at[pl.ds(0, PR - CH)], pool_s.at[pl.ds(CH, PR - CH)])

    @pl.when(sid == 1)
    def _zero_cnt():
        pltpu.sync_copy(zbuf, cnt_s.at[pl.ds(0, ZB)])
        pltpu.sync_copy(zbuf, cnt_s.at[pl.ds(ZB, ZB)])
        pltpu.sync_copy(zbuf.at[pl.ds(0, PR - CH)], cnt_s.at[pl.ds(CH, PR - CH)])

    plsc.subcore_barrier()
    _propagate(src_hbm, row_hbm, col_hbm, acc_s, wid,
               col_v0, row_v0, col_v1, row_v1, gbuf0, gbuf1,
               gsem0, gsem1, ssem0, ssem1, isem0, isem1)
    plsc.subcore_barrier()

    pltpu.sync_copy(ones_hbm, gbuf1)

    @pl.loop(0, NODE_CHUNKS)
    def _pool(i):
        noff = base + i * CH
        pltpu.sync_copy(bat_hbm.at[pl.ds(noff, CH)], bat_v)
        pltpu.sync_copy(acc_s.at[pl.ds(noff, CH)], gbuf0)
        pltpu.sync_copy(gbuf0, pool_s.at[bat_v], add=True)
        pltpu.sync_copy(gbuf1, cnt_s.at[bat_v], add=True)

    plsc.subcore_barrier()

    gbase = sid * G_PER_TILE
    pltpu.sync_copy(pool_s.at[pl.ds(gbase, G_PER_TILE)], pbuf)
    pltpu.sync_copy(pbuf, poolp_hbm.at[pl.ds(cid * N_GRAPHS + gbase, G_PER_TILE)])

    @pl.when(cid == 0)
    def _dump_cnt():
        pltpu.sync_copy(cnt_s.at[pl.ds(gbase, G_PER_TILE)], pbuf)
        pltpu.sync_copy(pbuf, cntp_hbm.at[pl.ds(gbase, G_PER_TILE)])


def _sc_layer2(src, rowp, colp, batp, zconst, oconst):
    mesh = plsc.VectorSubcoreMesh(
        core_axis_name="c", subcore_axis_name="s",
        num_cores=NC, num_subcores=NT)
    f = pl.kernel(
        _sc_layer2_body,
        out_type=(
            jax.ShapeDtypeStruct((NC * N_GRAPHS, FW), jnp.float32),
            jax.ShapeDtypeStruct((N_GRAPHS, FW), jnp.float32),
        ),
        mesh=mesh,
        scratch_types=[
            pltpu.VMEM_SHARED((N_PAD, FW), jnp.float32),
            pltpu.VMEM_SHARED((PR, FW), jnp.float32),
            pltpu.VMEM_SHARED((PR, FW), jnp.float32),
            pltpu.VMEM((CH,), jnp.int32),
            pltpu.VMEM((CH,), jnp.int32),
            pltpu.VMEM((CH,), jnp.int32),
            pltpu.VMEM((CH,), jnp.int32),
            pltpu.VMEM((CH,), jnp.int32),
            pltpu.VMEM((CH, FW), jnp.float32),
            pltpu.VMEM((CH, FW), jnp.float32),
            pltpu.VMEM((ZB, FW), jnp.float32),
            pltpu.VMEM((G_PER_TILE, FW), jnp.float32),
            pltpu.SemaphoreType.DMA,
            pltpu.SemaphoreType.DMA,
            pltpu.SemaphoreType.DMA,
            pltpu.SemaphoreType.DMA,
            pltpu.SemaphoreType.DMA,
            pltpu.SemaphoreType.DMA,
        ],
    )
    return f(src, rowp, colp, batp, zconst, oconst)


def kernel(x, edge_index, batch, W, b):
    f32, i32 = jnp.float32, jnp.int32
    x = x.astype(f32)
    xp = jnp.concatenate(
        [x, jnp.zeros((N_PAD - N_NODES, N_FEAT), f32)], axis=0)
    wp = jnp.zeros((N_FEAT, FW), f32).at[:, :N_CLASSES].set(
        W.astype(f32).T)
    row = edge_index[0].astype(i32)
    col = edge_index[1].astype(i32)
    pad = N_NODES + (jnp.arange(E_PAD - N_EDGES, dtype=i32) % (N_PAD - N_NODES))
    rowp = jnp.concatenate([row, pad])
    colp = jnp.concatenate([col, pad])
    batp = jnp.concatenate(
        [batch.astype(i32), jnp.full((N_PAD - N_NODES,), N_GRAPHS, i32)])
    bp2 = jnp.concatenate(
        [b.astype(f32), jnp.zeros((L - N_CLASSES,), f32)]).reshape(1, L)
    zconst = jnp.zeros((ZB, FW), f32)
    oconst = jnp.ones((CH, FW), f32)

    z = _project(xp, wp)
    h1p = _sc_layer(z, rowp, colp, zconst)
    h1 = _combine(h1p)
    poolp, cntp = _sc_layer2(h1, rowp, colp, batp, zconst, oconst)
    out = _finalize(poolp, cntp, bp2)
    return out[:, :N_CLASSES]

# --- scband reference (transcript-rebuilt; emitter-appended) ---
"""Pipeline reference for scband-sgc-8280696947367 (READ-ONLY COPY).

The authoritative reference and input builder live on the scoring server;
editing this copy changes nothing except your own understanding.
"""

import jax, jax.numpy as jnp
import numpy as np

N_NODES = 10000
N_EDGES = 320000
NUM_FEATURES = 128
NUM_CLASSES = 10
NUM_LAYERS = 2
NUM_GRAPHS = 128


def setup_inputs(seed: int = 0) -> dict:
    key = jax.random.key(seed)
    k1, k2, k3, k4, k5 = jax.random.split(key, 5)
    x = jax.random.normal(k1, (N_NODES, NUM_FEATURES), dtype=jnp.float32)
    edge_index = jax.random.randint(k2, (2, N_EDGES), 0, N_NODES)
    batch = jnp.sort(jax.random.randint(k3, (N_NODES,), 0, NUM_GRAPHS))
    # Linear layer parameters (torch Linear: W [out, in], b [out])
    W = jax.random.normal(k4, (NUM_CLASSES, NUM_FEATURES), dtype=jnp.float32) * 0.05
    b = jax.random.normal(k5, (NUM_CLASSES,), dtype=jnp.float32) * 0.05
    return {"x": x, "edge_index": edge_index, "batch": batch, "W": W, "b": b}


def reference(x, edge_index, batch, W, b):
    row = edge_index[0]
    col = edge_index[1]
    # torch.spmm(sparse_coo(edge_index, ones, (N,N)), x):
    # out[i] = sum over edges (i=row, j=col) of x[j]  -> gather + scatter-add
    h = x
    for _ in range(NUM_LAYERS):
        h = jax.ops.segment_sum(h[col], row, num_segments=N_NODES)
    # global mean pooling per graph id
    counts = jnp.bincount(batch, length=NUM_GRAPHS).astype(h.dtype)
    counts = jnp.maximum(counts, 1.0)
    pooled = jax.ops.segment_sum(h, batch, num_segments=NUM_GRAPHS) / counts[:, None]
    # final linear classifier
    out = pooled @ W.T + b
    return out

if __name__ == "__main__":
    import jax
    _d = setup_inputs()
    print(jax.jit(kernel)(*tuple(_d.values())))

</pallas_src>

<mosaic_0001>
#map = affine_map<(d0, d1) -> (0, 0)>
#map1 = affine_map<(d0, d1) -> (0)>
module attributes {stable_mosaic.version = 14 : i64} {
  func.func @_sc_layer_body(%arg0: i32, %arg1: i32, %arg2: memref<10240x128xf32, #tpu.memory_space<hbm>>, %arg3: memref<327680xi32, #tpu.memory_space<hbm>>, %arg4: memref<327680xi32, #tpu.memory_space<hbm>>, %arg5: memref<64x128xf32, #tpu.memory_space<hbm>>, %arg6: memref<20480x128xf32, #tpu.memory_space<hbm>>, %arg7: memref<10240x128xf32, #tpu.memory_space<vmem_shared>>, %arg8: memref<128xi32, #tpu.memory_space<vmem>>, %arg9: memref<128xi32, #tpu.memory_space<vmem>>, %arg10: memref<128xi32, #tpu.memory_space<vmem>>, %arg11: memref<128xi32, #tpu.memory_space<vmem>>, %arg12: memref<128x128xf32, #tpu.memory_space<vmem>>, %arg13: memref<128x128xf32, #tpu.memory_space<vmem>>, %arg14: memref<64x128xf32, #tpu.memory_space<vmem>>, %arg15: memref<!tpu.dma_semaphore, #tpu.memory_space<semaphore_mem>>, %arg16: memref<!tpu.dma_semaphore, #tpu.memory_space<semaphore_mem>>, %arg17: memref<!tpu.dma_semaphore, #tpu.memory_space<semaphore_mem>>, %arg18: memref<!tpu.dma_semaphore, #tpu.memory_space<semaphore_mem>>, %arg19: memref<!tpu.dma_semaphore, #tpu.memory_space<semaphore_mem>>, %arg20: memref<!tpu.dma_semaphore, #tpu.memory_space<semaphore_mem>>) attributes {dimension_semantics = [#tpu.dimension_semantics<core_parallel>, #tpu.dimension_semantics<subcore_parallel>], iteration_bounds = array<i64: 2, 16>, scalar_prefetch = 0 : i64, scratch_operands = 14 : i64, tpu.core_type = #tpu.core_type<sc_vector_subcore>, window_params = [{transform_indices = #map}, {transform_indices = #map1}, {transform_indices = #map1}, {transform_indices = #map}, {transform_indices = #map}]} {
    %mul3A = arith.constant 2 : i32
    %mul3A_0 = arith.muli %arg1, %mul3A : i32
    %add3A = arith.addi %mul3A_0, %arg0 : i32
    %mul3A_1 = arith.constant 640 : i32
    %mul3A_2 = arith.muli %arg1, %mul3A_1 : i32
    "tpu.region"() ({
      %run_scoped3A = tpu.sem_alloc : memref<!tpu.dma_semaphore, #tpu.memory_space<semaphore_mem>>
      tpu.enqueue_dma source(%arg5 : memref<64x128xf32, #tpu.memory_space<hbm>>) target(%arg14 : memref<64x128xf32, #tpu.memory_space<vmem>>) target_semaphore(%run_scoped3A : memref<!tpu.dma_semaphore, #tpu.memory_space<semaphore_mem>>)
      tpu.wait_dma2 semaphore(%run_scoped3A : memref<!tpu.dma_semaphore, #tpu.memory_space<semaphore_mem>>) src(%arg5 : memref<64x128xf32, #tpu.memory_space<hbm>>) dst(%arg14 : memref<64x128xf32, #tpu.memory_space<vmem>>)
      tpu.yield
    }) : () -> ()
    %scan3A = arith.constant 0 : i32
    %scan3A_3 = arith.constant 10 : i32
    %scan3A_4 = arith.addi %scan3A, %scan3A_3 : i32
    %scan3A_5 = arith.constant 1 : i32
    scf.for %scan3A_34 = %scan3A to %scan3A_4 step %scan3A_5  : i32 {
      %mul3A_35 = arith.constant 1 : i32
      %mul3A_36 = arith.muli %scan3A_34, %mul3A_35 : i32
      %add3A_37 = arith.constant 0 : i32
      %add3A_38 = arith.addi %add3A_37, %mul3A_36 : i32
      %mul3A_39 = arith.constant 64 : i32
      %mul3A_40 = arith.muli %add3A_38, %mul3A_39 : i32
      %add3A_41 = arith.addi %mul3A_2, %mul3A_40 : i32
      "tpu.region"() ({
        %run_scoped3A = tpu.sem_alloc : memref<!tpu.dma_semaphore, #tpu.memory_space<semaphore_mem>>
        %dma_start3A_42 = arith.constant 0 : i32
        %dma_start3A_43 = tpu.memref_slice %arg7[%add3A_41, %dma_start3A_42] : memref<10240x128xf32, #tpu.memory_space<vmem_shared>> -> memref<64x128xf32, #tpu.memory_space<vmem_shared>>
        %dma_start3A_44 = arith.constant 0 : i32
        %dma_start3A_45 = tpu.memref_slice %arg7[%add3A_41, %dma_start3A_44] : memref<10240x128xf32, #tpu.memory_space<vmem_shared>> -> memref<64x128xf32, #tpu.memory_space<vmem_shared>>
        tpu.enqueue_dma source(%arg14 : memref<64x128xf32, #tpu.memory_space<vmem>>) target(%dma_start3A_45 : memref<64x128xf32, #tpu.memory_space<vmem_shared>>) target_semaphore(%run_scoped3A : memref<!tpu.dma_semaphore, #tpu.memory_space<semaphore_mem>>)
        %dma_wait3A_46 = arith.constant 0 : i32
        %dma_wait3A_47 = tpu.memref_slice %arg7[%add3A_41, %dma_wait3A_46] : memref<10240x128xf32, #tpu.memory_space<vmem_shared>> -> memref<64x128xf32, #tpu.memory_space<vmem_shared>>
        %dma_wait3A_48 = arith.constant 0 : i32
        %dma_wait3A_49 = tpu.memref_slice %arg7[%add3A_41, %dma_wait3A_48] : memref<10240x128xf32, #tpu.memory_space<vmem_shared>> -> memref<64x128xf32, #tpu.memory_space<vmem_shared>>
        tpu.wait_dma2 semaphore(%run_scoped3A : memref<!tpu.dma_semaphore, #tpu.memory_space<semaphore_mem>>) src(%arg14 : memref<64x128xf32, #tpu.memory_space<vmem>>) dst(%dma_wait3A_49 : memref<64x128xf32, #tpu.memory_space<vmem_shared>>)
        tpu.yield
      }) : () -> ()
    }
    %scan3A_6 = arith.constant 10 : i32
    %barrier3A = arith.constant 0 : index
    tpu.barrier barrier_id(%barrier3A)
    %mul3A_7 = arith.constant 80 : i32
    %mul3A_8 = arith.muli %add3A, %mul3A_7 : i32
    %mul3A_9 = arith.constant 128 : i32
    %mul3A_10 = arith.muli %mul3A_8, %mul3A_9 : i32
    %dma_start3A = tpu.memref_slice %arg4[%mul3A_10] : memref<327680xi32, #tpu.memory_space<hbm>> -> memref<128xi32, #tpu.memory_space<hbm>>
    %dma_start3A_11 = tpu.memref_slice %arg4[%mul3A_10] : memref<327680xi32, #tpu.memory_space<hbm>> -> memref<128xi32, #tpu.memory_space<hbm>>
    tpu.enqueue_dma source(%dma_start3A_11 : memref<128xi32, #tpu.memory_space<hbm>>) target(%arg8 : memref<128xi32, #tpu.memory_space<vmem>>) target_semaphore(%arg19 : memref<!tpu.dma_semaphore, #tpu.memory_space<semaphore_mem>>)
    %dma_start3A_12 = tpu.memref_slice %arg3[%mul3A_10] : memref<327680xi32, #tpu.memory_space<hbm>> -> memref<128xi32, #tpu.memory_space<hbm>>
    %dma_start3A_13 = tpu.memref_slice %arg3[%mul3A_10] : memref<327680xi32, #tpu.memory_space<hbm>> -> memref<128xi32, #tpu.memory_space<hbm>>
    tpu.enqueue_dma source(%dma_start3A_13 : memref<128xi32, #tpu.memory_space<hbm>>) target(%arg9 : memref<128xi32, #tpu.memory_space<vmem>>) target_semaphore(%arg19 : memref<!tpu.dma_semaphore, #tpu.memory_space<semaphore_mem>>)
    %dma_wait3A = tpu.memref_slice %arg4[%mul3A_10] : memref<327680xi32, #tpu.memory_space<hbm>> -> memref<128xi32, #tpu.memory_space<hbm>>
    %dma_wait3A_14 = tpu.memref_slice %arg4[%mul3A_10] : memref<327680xi32, #tpu.memory_space<hbm>> -> memref<128xi32, #tpu.memory_space<hbm>>
    tpu.wait_dma2 semaphore(%arg19 : memref<!tpu.dma_semaphore, #tpu.memory_space<semaphore_mem>>) src(%dma_wait3A_14 : memref<128xi32, #tpu.memory_space<hbm>>) dst(%arg8 : memref<128xi32, #tpu.memory_space<vmem>>)
    %dma_wait3A_15 = tpu.memref_slice %arg3[%mul3A_10] : memref<327680xi32, #tpu.memory_space<hbm>> -> memref<128xi32, #tpu.memory_space<hbm>>
    %dma_wait3A_16 = tpu.memref_slice %arg3[%mul3A_10] : memref<327680xi32, #tpu.memory_space<hbm>> -> memref<128xi32, #tpu.memory_space<hbm>>
    tpu.wait_dma2 semaphore(%arg19 : memref<!tpu.dma_semaphore, #tpu.memory_space<semaphore_mem>>) src(%dma_wait3A_16 : memref<128xi32, #tpu.memory_space<hbm>>) dst(%arg9 : memref<128xi32, #tpu.memory_space<vmem>>)
    %dma_start3A_17 = arith.constant 0 : i32
    %dma_start3A_18 = arith.constant 0 : i32
    %dma_start3A_19 = tpu.memref_slice %arg2[%dma_start3A_17, %dma_start3A_18] : memref<10240x128xf32, #tpu.memory_space<hbm>> -> memref<10240x128xf32, #tpu.memory_space<hbm>>
    tpu.enqueue_indirect_dma source(%dma_start3A_19 : memref<10240x128xf32, #tpu.memory_space<hbm>>) target(%arg12 : memref<128x128xf32, #tpu.memory_space<vmem>>) offsets(%arg8 : memref<128xi32, #tpu.memory_space<vmem>>) semaphore(%arg15 : memref<!tpu.dma_semaphore, #tpu.memory_space<semaphore_mem>>)
    %scan3A_20 = arith.constant 0 : i32
    %scan3A_21 = arith.constant 40 : i32
    %scan3A_22 = arith.addi %scan3A_20, %scan3A_21 : i32
    %scan3A_23 = arith.constant 1 : i32
    scf.for %scan3A_34 = %scan3A_20 to %scan3A_22 step %scan3A_23  : i32 {
      %mul3A_35 = arith.constant 2 : i32
      %mul3A_36 = arith.muli %scan3A_34, %mul3A_35 : i32
      %add3A_37 = arith.constant 0 : i32
      %add3A_38 = arith.addi %add3A_37, %mul3A_36 : i32
      %gt3A = arith.constant 0 : i32
      %gt3A_39 = arith.cmpi sgt, %add3A_38, %gt3A : i32
      %convert_element_type3A = arith.extui %gt3A_39 : i1 to i32
      %cond3A = arith.constant 0 : i32
      %cond3A_40 = arith.cmpi ne, %convert_element_type3A, %cond3A : i32
      scf.if %cond3A_40 {
        %dma_wait3A_94 = arith.constant 0 : i32
        %dma_wait3A_95 = arith.constant 0 : i32
        %dma_wait3A_96 = tpu.memref_slice %arg7[%dma_wait3A_94, %dma_wait3A_95] : memref<10240x128xf32, #tpu.memory_space<vmem_shared>> -> memref<10240x128xf32, #tpu.memory_space<vmem_shared>>
        tpu.wait_indirect_dma semaphore(%arg18 : memref<!tpu.dma_semaphore, #tpu.memory_space<semaphore_mem>>) src(%arg13 : memref<128x128xf32, #tpu.memory_space<vmem>>) dst(%dma_wait3A_96 : memref<10240x128xf32, #tpu.memory_space<vmem_shared>>)
      } else {
      }
      %mul3A_41 = arith.constant 80 : i32
      %mul3A_42 = arith.muli %add3A, %mul3A_41 : i32
      %add3A_43 = arith.addi %mul3A_42, %add3A_38 : i32
      %add3A_44 = arith.constant 1 : i32
      %add3A_45 = arith.addi %add3A_43, %add3A_44 : i32
      %mul3A_46 = arith.constant 128 : i32
      %mul3A_47 = arith.muli %add3A_45, %mul3A_46 : i32
      %dma_start3A_48 = tpu.memref_slice %arg4[%mul3A_47] : memref<327680xi32, #tpu.memory_space<hbm>> -> memref<128xi32, #tpu.memory_space<hbm>>
      %dma_start3A_49 = tpu.memref_slice %arg4[%mul3A_47] : memref<327680xi32, #tpu.memory_space<hbm>> -> memref<128xi32, #tpu.memory_space<hbm>>
      tpu.enqueue_dma source(%dma_start3A_49 : memref<128xi32, #tpu.memory_space<hbm>>) target(%arg10 : memref<128xi32, #tpu.memory_space<vmem>>) target_semaphore(%arg20 : memref<!tpu.dma_semaphore, #tpu.memory_space<semaphore_mem>>)
      %dma_start3A_50 = tpu.memref_slice %arg3[%mul3A_47] : memref<327680xi32, #tpu.memory_space<hbm>> -> memref<128xi32, #tpu.memory_space<hbm>>
      %dma_start3A_51 = tpu.memref_slice %arg3[%mul3A_47] : memref<327680xi32, #tpu.memory_space<hbm>> -> memref<128xi32, #tpu.memory_space<hbm>>
      tpu.enqueue_dma source(%dma_start3A_51 : memref<128xi32, #tpu.memory_space<hbm>>) target(%arg11 : memref<128xi32, #tpu.memory_space<vmem>>) target_semaphore(%arg20 : memref<!tpu.dma_semaphore, #tpu.memory_space<semaphore_mem>>)
      %dma_wait3A_52 = arith.constant 0 : i32
      %dma_wait3A_53 = arith.constant 0 : i32
      %dma_wait3A_54 = tpu.memref_slice %arg2[%dma_wait3A_52, %dma_wait3A_53] : memref<10240x128xf32, #tpu.memory_space<hbm>> -> memref<10240x128xf32, #tpu.memory_space<hbm>>
      tpu.wait_indirect_dma semaphore(%arg15 : memref<!tpu.dma_semaphore, #tpu.memory_space<semaphore_mem>>) src(%dma_wait3A_54 : memref<10240x128xf32, #tpu.memory_space<hbm>>) dst(%arg12 : memref<128x128xf32, #tpu.memory_space<vmem>>)
      %dma_start3A_55 = arith.constant 0 : i32
      %dma_start3A_56 = arith.constant 0 : i32
      %dma_start3A_57 = tpu.memref_slice %arg7[%dma_start3A_55, %dma_start3A_56] : memref<10240x128xf32, #tpu.memory_space<vmem_shared>> -> memref<10240x128xf32, #tpu.memory_space<vmem_shared>>
      tpu.enqueue_indirect_dma source(%arg12 : memref<128x128xf32, #tpu.memory_space<vmem>>) target(%dma_start3A_57 : memref<10240x128xf32, #tpu.memory_space<vmem_shared>>) offsets(%arg9 : memref<128xi32, #tpu.memory_space<vmem>>) semaphore(%arg17 : memref<!tpu.dma_semaphore, #tpu.memory_space<semaphore_mem>>) {add = true}
      %dma_wait3A_58 = tpu.memref_slice %arg4[%mul3A_47] : memref<327680xi32, #tpu.memory_space<hbm>> -> memref<128xi32, #tpu.memory_space<hbm>>
      %dma_wait3A_59 = tpu.memref_slice %arg4[%mul3A_47] : memref<327680xi32, #tpu.memory_space<hbm>> -> memref<128xi32, #tpu.memory_space<hbm>>
      tpu.wait_dma2 semaphore(%arg20 : memref<!tpu.dma_semaphore, #tpu.memory_space<semaphore_mem>>) src(%dma_wait3A_59 : memref<128xi32, #tpu.memory_space<hbm>>) dst(%arg10 : memref<128xi32, #tpu.memory_space<vmem>>)
      %dma_wait3A_60 = tpu.memref_slice %arg3[%mul3A_47] : memref<327680xi32, #tpu.memory_space<hbm>> -> memref<128xi32, #tpu.memory_space<hbm>>
      %dma_wait3A_61 = tpu.memref_slice %arg3[%mul3A_47] : memref<327680xi32, #tpu.memory_space<hbm>> -> memref<128xi32, #tpu.memory_space<hbm>>
      tpu.wait_dma2 semaphore(%arg20 : memref<!tpu.dma_semaphore, #tpu.memory_space<semaphore_mem>>) src(%dma_wait3A_61 : memref<128xi32, #tpu.memory_space<hbm>>) dst(%arg11 : memref<128xi32, #tpu.memory_space<vmem>>)
      %dma_start3A_62 = arith.constant 0 : i32
      %dma_start3A_63 = arith.constant 0 : i32
      %dma_start3A_64 = tpu.memref_slice %arg2[%dma_start3A_62, %dma_start3A_63] : memref<10240x128xf32, #tpu.memory_space<hbm>> -> memref<10240x128xf32, #tpu.memory_space<hbm>>
      tpu.enqueue_indirect_dma source(%dma_start3A_64 : memref<10240x128xf32, #tpu.memory_space<hbm>>) target(%arg13 : memref<128x128xf32, #tpu.memory_space<vmem>>) offsets(%arg10 : memref<128xi32, #tpu.memory_space<vmem>>) semaphore(%arg16 : memref<!tpu.dma_semaphore, #tpu.memory_space<semaphore_mem>>)
      %dma_wait3A_65 = arith.constant 0 : i32
      %dma_wait3A_66 = arith.constant 0 : i32
      %dma_wait3A_67 = tpu.memref_slice %arg7[%dma_wait3A_65, %dma_wait3A_66] : memref<10240x128xf32, #tpu.memory_space<vmem_shared>> -> memref<10240x128xf32, #tpu.memory_space<vmem_shared>>
      tpu.wait_indirect_dma semaphore(%arg17 : memref<!tpu.dma_semaphore, #tpu.memory_space<semaphore_mem>>) src(%arg12 : memref<128x128xf32, #tpu.memory_space<vmem>>) dst(%dma_wait3A_67 : memref<10240x128xf32, #tpu.memory_space<vmem_shared>>)
      %mul3A_68 = arith.constant 80 : i32
      %mul3A_69 = arith.muli %add3A, %mul3A_68 : i32
      %add3A_70 = arith.addi %mul3A_69, %add3A_38 : i32
      %add3A_71 = arith.constant 2 : i32
      %add3A_72 = arith.addi %add3A_70, %add3A_71 : i32
      %mul3A_73 = arith.constant 128 : i32
      %mul3A_74 = arith.muli %add3A_72, %mul3A_73 : i32
      %add3A_75 = arith.constant 2 : i32
      %add3A_76 = arith.addi %add3A_38, %add3A_75 : i32
      %lt3A = arith.constant 80 : i32
      %lt3A_77 = arith.cmpi slt, %add3A_76, %lt3A : i32
      %convert_element_type3A_78 = arith.extui %lt3A_77 : i1 to i32
      %cond3A_79 = arith.constant 0 : i32
      %cond3A_80 = arith.cmpi ne, %convert_element_type3A_78, %cond3A_79 : i32
      scf.if %cond3A_80 {
        %dma_start3A_94 = tpu.memref_slice %arg4[%mul3A_74] : memref<327680xi32, #tpu.memory_space<hbm>> -> memref<128xi32, #tpu.memory_space<hbm>>
        %dma_start3A_95 = tpu.memref_slice %arg4[%mul3A_74] : memref<327680xi32, #tpu.memory_space<hbm>> -> memref<128xi32, #tpu.memory_space<hbm>>
        tpu.enqueue_dma source(%dma_start3A_95 : memref<128xi32, #tpu.memory_space<hbm>>) target(%arg8 : memref<128xi32, #tpu.memory_space<vmem>>) target_semaphore(%arg19 : memref<!tpu.dma_semaphore, #tpu.memory_space<semaphore_mem>>)
        %dma_start3A_96 = tpu.memref_slice %arg3[%mul3A_74] : memref<327680xi32, #tpu.memory_space<hbm>> -> memref<128xi32, #tpu.memory_space<hbm>>
        %dma_start3A_97 = tpu.memref_slice %arg3[%mul3A_74] : memref<327680xi32, #tpu.memory_space<hbm>> -> memref<128xi32, #tpu.memory_space<hbm>>
        tpu.enqueue_dma source(%dma_start3A_97 : memref<128xi32, #tpu.memory_space<hbm>>) target(%arg9 : memref<128xi32, #tpu.memory_space<vmem>>) target_semaphore(%arg19 : memref<!tpu.dma_semaphore, #tpu.memory_space<semaphore_mem>>)
      } else {
      }
      %dma_wait3A_81 = arith.constant 0 : i32
      %dma_wait3A_82 = arith.constant 0 : i32
      %dma_wait3A_83 = tpu.memref_slice %arg2[%dma_wait3A_81, %dma_wait3A_82] : memref<10240x128xf32, #tpu.memory_space<hbm>> -> memref<10240x128xf32, #tpu.memory_space<hbm>>
      tpu.wait_indirect_dma semaphore(%arg16 : memref<!tpu.dma_semaphore, #tpu.memory_space<semaphore_mem>>) src(%dma_wait3A_83 : memref<10240x128xf32, #tpu.memory_space<hbm>>) dst(%arg13 : memref<128x128xf32, #tpu.memory_space<vmem>>)
      %dma_start3A_84 = arith.constant 0 : i32
      %dma_start3A_85 = arith.constant 0 : i32
      %dma_start3A_86 = tpu.memref_slice %arg7[%dma_start3A_84, %dma_start3A_85] : memref<10240x128xf32, #tpu.memory_space<vmem_shared>> -> memref<10240x128xf32, #tpu.memory_space<vmem_shared>>
      tpu.enqueue_indirect_dma source(%arg13 : memref<128x128xf32, #tpu.memory_space<vmem>>) target(%dma_start3A_86 : memref<10240x128xf32, #tpu.memory_space<vmem_shared>>) offsets(%arg11 : memref<128xi32, #tpu.memory_space<vmem>>) semaphore(%arg18 : memref<!tpu.dma_semaphore, #tpu.memory_space<semaphore_mem>>) {add = true}
      %add3A_87 = arith.constant 2 : i32
      %add3A_88 = arith.addi %add3A_38, %add3A_87 : i32
      %lt3A_89 = arith.constant 80 : i32
      %lt3A_90 = arith.cmpi slt, %add3A_88, %lt3A_89 : i32
      %convert_element_type3A_91 = arith.extui %lt3A_90 : i1 to i32
      %cond3A_92 = arith.constant 0 : i32
      %cond3A_93 = arith.cmpi ne, %convert_element_type3A_91, %cond3A_92 : i32
      scf.if %cond3A_93 {
        %dma_wait3A_94 = tpu.memref_slice %arg4[%mul3A_74] : memref<327680xi32, #tpu.memory_space<hbm>> -> memref<128xi32, #tpu.memory_space<hbm>>
        %dma_wait3A_95 = tpu.memref_slice %arg4[%mul3A_74] : memref<327680xi32, #tpu.memory_space<hbm>> -> memref<128xi32, #tpu.memory_space<hbm>>
        tpu.wait_dma2 semaphore(%arg19 : memref<!tpu.dma_semaphore, #tpu.memory_space<semaphore_mem>>) src(%dma_wait3A_95 : memref<128xi32, #tpu.memory_space<hbm>>) dst(%arg8 : memref<128xi32, #tpu.memory_space<vmem>>)
        %dma_wait3A_96 = tpu.memref_slice %arg3[%mul3A_74] : memref<327680xi32, #tpu.memory_space<hbm>> -> memref<128xi32, #tpu.memory_space<hbm>>
        %dma_wait3A_97 = tpu.memref_slice %arg3[%mul3A_74] : memref<327680xi32, #tpu.memory_space<hbm>> -> memref<128xi32, #tpu.memory_space<hbm>>
        tpu.wait_dma2 semaphore(%arg19 : memref<!tpu.dma_semaphore, #tpu.memory_space<semaphore_mem>>) src(%dma_wait3A_97 : memref<128xi32, #tpu.memory_space<hbm>>) dst(%arg9 : memref<128xi32, #tpu.memory_space<vmem>>)
        %dma_start3A_98 = arith.constant 0 : i32
        %dma_start3A_99 = arith.constant 0 : i32
        %dma_start3A_100 = tpu.memref_slice %arg2[%dma_start3A_98, %dma_start3A_99] : memref<10240x128xf32, #tpu.memory_space<hbm>> -> memref<10240x128xf32, #tpu.memory_space<hbm>>
        tpu.enqueue_indirect_dma source(%dma_start3A_100 : memref<10240x128xf32, #tpu.memory_space<hbm>>) target(%arg12 : memref<128x128xf32, #tpu.memory_space<vmem>>) offsets(%arg8 : memref<128xi32, #tpu.memory_space<vmem>>) semaphore(%arg15 : memref<!tpu.dma_semaphore, #tpu.memory_space<semaphore_mem>>)
      } else {
      }
    }
    %scan3A_24 = arith.constant 40 : i32
    %dma_wait3A_25 = arith.constant 0 : i32
    %dma_wait3A_26 = arith.constant 0 : i32
    %dma_wait3A_27 = tpu.memref_slice %arg7[%dma_wait3A_25, %dma_wait3A_26] : memref<10240x128xf32, #tpu.memory_space<vmem_shared>> -> memref<10240x128xf32, #tpu.memory_space<vmem_shared>>
    tpu.wait_indirect_dma semaphore(%arg18 : memref<!tpu.dma_semaphore, #tpu.memory_space<semaphore_mem>>) src(%arg13 : memref<128x128xf32, #tpu.memory_space<vmem>>) dst(%dma_wait3A_27 : memref<10240x128xf32, #tpu.memory_space<vmem_shared>>)
    %barrier3A_28 = arith.constant 0 : index
    tpu.barrier barrier_id(%barrier3A_28)
    %scan3A_29 = arith.constant 0 : i32
    %scan3A_30 = arith.constant 5 : i32
    %scan3A_31 = arith.addi %scan3A_29, %scan3A_30 : i32
    %scan3A_32 = arith.constant 1 : i32
    scf.for %scan3A_34 = %scan3A_29 to %scan3A_31 step %scan3A_32  : i32 {
      %mul3A_35 = arith.constant 1 : i32
      %mul3A_36 = arith.muli %scan3A_34, %mul3A_35 : i32
      %add3A_37 = arith.constant 0 : i32
      %add3A_38 = arith.addi %add3A_37, %mul3A_36 : i32
      %mul3A_39 = arith.constant 128 : i32
      %mul3A_40 = arith.muli %add3A_38, %mul3A_39 : i32
      %add3A_41 = arith.addi %mul3A_2, %mul3A_40 : i32
      "tpu.region"() ({
        %run_scoped3A = tpu.sem_alloc : memref<!tpu.dma_semaphore, #tpu.memory_space<semaphore_mem>>
        %dma_start3A_48 = arith.constant 0 : i32
        %dma_start3A_49 = tpu.memref_slice %arg7[%add3A_41, %dma_start3A_48] : memref<10240x128xf32, #tpu.memory_space<vmem_shared>> -> memref<128x128xf32, #tpu.memory_space<vmem_shared>>
        %dma_start3A_50 = arith.constant 0 : i32
        %dma_start3A_51 = tpu.memref_slice %arg7[%add3A_41, %dma_start3A_50] : memref<10240x128xf32, #tpu.memory_space<vmem_shared>> -> memref<128x128xf32, #tpu.memory_space<vmem_shared>>
        tpu.enqueue_dma source(%dma_start3A_51 : memref<128x128xf32, #tpu.memory_space<vmem_shared>>) target(%arg12 : memref<128x128xf32, #tpu.memory_space<vmem>>) target_semaphore(%run_scoped3A : memref<!tpu.dma_semaphore, #tpu.memory_space<semaphore_mem>>)
        %dma_wait3A_52 = arith.constant 0 : i32
        %dma_wait3A_53 = tpu.memref_slice %arg7[%add3A_41, %dma_wait3A_52] : memref<10240x128xf32, #tpu.memory_space<vmem_shared>> -> memref<128x128xf32, #tpu.memory_space<vmem_shared>>
        %dma_wait3A_54 = arith.constant 0 : i32
        %dma_wait3A_55 = tpu.memref_slice %arg7[%add3A_41, %dma_wait3A_54] : memref<10240x128xf32, #tpu.memory_space<vmem_shared>> -> memref<128x128xf32, #tpu.memory_space<vmem_shared>>
        tpu.wait_dma2 semaphore(%run_scoped3A : memref<!tpu.dma_semaphore, #tpu.memory_space<semaphore_mem>>) src(%dma_wait3A_55 : memref<128x128xf32, #tpu.memory_space<vmem_shared>>) dst(%arg12 : memref<128x128xf32, #tpu.memory_space<vmem>>)
        tpu.yield
      }) : () -> ()
      %mul3A_42 = arith.constant 10240 : i32
      %mul3A_43 = arith.muli %arg0, %mul3A_42 : i32
      %add3A_44 = arith.addi %mul3A_43, %mul3A_2 : i32
      %mul3A_45 = arith.constant 128 : i32
      %mul3A_46 = arith.muli %add3A_38, %mul3A_45 : i32
      %add3A_47 = arith.addi %add3A_44, %mul3A_46 : i32
      "tpu.region"() ({
        %run_scoped3A = tpu.sem_alloc : memref<!tpu.dma_semaphore, #tpu.memory_space<semaphore_mem>>
        %dma_start3A_48 = arith.constant 0 : i32
        %dma_start3A_49 = tpu.memref_slice %arg6[%add3A_47, %dma_start3A_48] : memref<20480x128xf32, #tpu.memory_space<hbm>> -> memref<128x128xf32, #tpu.memory_space<hbm>>
        %dma_start3A_50 = arith.constant 0 : i32
        %dma_start3A_51 = tpu.memref_slice %arg6[%add3A_47, %dma_start3A_50] : memref<20480x128xf32, #tpu.memory_space<hbm>> -> memref<128x128xf32, #tpu.memory_space<hbm>>
        tpu.enqueue_dma source(%arg12 : memref<128x128xf32, #tpu.memory_space<vmem>>) target(%dma_start3A_51 : memref<128x128xf32, #tpu.memory_space<hbm>>) target_semaphore(%run_scoped3A : memref<!tpu.dma_semaphore, #tpu.memory_space<semaphore_mem>>)
        %dma_wait3A_52 = arith.constant 0 : i32
        %dma_wait3A_53 = tpu.memref_slice %arg6[%add3A_47, %dma_wait3A_52] : memref<20480x128xf32, #tpu.memory_space<hbm>> -> memref<128x128xf32, #tpu.memory_space<hbm>>
        %dma_wait3A_54 = arith.constant 0 : i32
        %dma_wait3A_55 = tpu.memref_slice %arg6[%add3A_47, %dma_wait3A_54] : memref<20480x128xf32, #tpu.memory_space<hbm>> -> memref<128x128xf32, #tpu.memory_space<hbm>>
        tpu.wait_dma2 semaphore(%run_scoped3A : memref<!tpu.dma_semaphore, #tpu.memory_space<semaphore_mem>>) src(%arg12 : memref<128x128xf32, #tpu.memory_space<vmem>>) dst(%dma_wait3A_55 : memref<128x128xf32, #tpu.memory_space<hbm>>)
        tpu.yield
      }) : () -> ()
    }
    %scan3A_33 = arith.constant 5 : i32
    return
  }
}

#map = affine_map<(d0, d1) -> (0, 0)>
#map1 = affine_map<(d0, d1) -> (0)>
module attributes {stable_mosaic.version = 14 : i64} {
  func.func @_sc_layer2_body(%arg0: i32, %arg1: i32, %arg2: memref<10240x128xf32, #tpu.memory_space<hbm>>, %arg3: memref<327680xi32, #tpu.memory_space<hbm>>, %arg4: memref<327680xi32, #tpu.memory_space<hbm>>, %arg5: memref<10240xi32, #tpu.memory_space<hbm>>, %arg6: memref<64x128xf32, #tpu.memory_space<hbm>>, %arg7: memref<128x128xf32, #tpu.memory_space<hbm>>, %arg8: memref<256x128xf32, #tpu.memory_space<hbm>>, %arg9: memref<128x128xf32, #tpu.memory_space<hbm>>, %arg10: memref<10240x128xf32, #tpu.memory_space<vmem_shared>>, %arg11: memref<136x128xf32, #tpu.memory_space<vmem_shared>>, %arg12: memref<136x128xf32, #tpu.memory_space<vmem_shared>>, %arg13: memref<128xi32, #tpu.memory_space<vmem>>, %arg14: memref<128xi32, #tpu.memory_space<vmem>>, %arg15: memref<128xi32, #tpu.memory_space<vmem>>, %arg16: memref<128xi32, #tpu.memory_space<vmem>>, %arg17: memref<128xi32, #tpu.memory_space<vmem>>, %arg18: memref<128x128xf32, #tpu.memory_space<vmem>>, %arg19: memref<128x128xf32, #tpu.memory_space<vmem>>, %arg20: memref<64x128xf32, #tpu.memory_space<vmem>>, %arg21: memref<8x128xf32, #tpu.memory_space<vmem>>, %arg22: memref<!tpu.dma_semaphore, #tpu.memory_space<semaphore_mem>>, %arg23: memref<!tpu.dma_semaphore, #tpu.memory_space<semaphore_mem>>, %arg24: memref<!tpu.dma_semaphore, #tpu.memory_space<semaphore_mem>>, %arg25: memref<!tpu.dma_semaphore, #tpu.memory_space<semaphore_mem>>, %arg26: memref<!tpu.dma_semaphore, #tpu.memory_space<semaphore_mem>>, %arg27: memref<!tpu.dma_semaphore, #tpu.memory_space<semaphore_mem>>) attributes {dimension_semantics = [#tpu.dimension_semantics<core_parallel>, #tpu.dimension_semantics<subcore_parallel>], iteration_bounds = array<i64: 2, 16>, scalar_prefetch = 0 : i64, scratch_operands = 18 : i64, tpu.core_type = #tpu.core_type<sc_vector_subcore>, window_params = [{transform_indices = #map}, {transform_indices = #map1}, {transform_indices = #map1}, {transform_indices = #map1}, {transform_indices = #map}, {transform_indices = #map}, {transform_indices = #map}, {transform_indices = #map}]} {
    %mul3A = arith.constant 2 : i32
    %mul3A_0 = arith.muli %arg1, %mul3A : i32
    %add3A = arith.addi %mul3A_0, %arg0 : i32
    %mul3A_1 = arith.constant 640 : i32
    %mul3A_2 = arith.muli %arg1, %mul3A_1 : i32
    "tpu.region"() ({
      %run_scoped3A = tpu.sem_alloc : memref<!tpu.dma_semaphore, #tpu.memory_space<semaphore_mem>>
      tpu.enqueue_dma source(%arg6 : memref<64x128xf32, #tpu.memory_space<hbm>>) target(%arg20 : memref<64x128xf32, #tpu.memory_space<vmem>>) target_semaphore(%run_scoped3A : memref<!tpu.dma_semaphore, #tpu.memory_space<semaphore_mem>>)
      tpu.wait_dma2 semaphore(%run_scoped3A : memref<!tpu.dma_semaphore, #tpu.memory_space<semaphore_mem>>) src(%arg6 : memref<64x128xf32, #tpu.memory_space<hbm>>) dst(%arg20 : memref<64x128xf32, #tpu.memory_space<vmem>>)
      tpu.yield
    }) : () -> ()
    %scan3A = arith.constant 0 : i32
    %scan3A_3 = arith.constant 10 : i32
    %scan3A_4 = arith.addi %scan3A, %scan3A_3 : i32
    %scan3A_5 = arith.constant 1 : i32
    scf.for %scan3A_52 = %scan3A to %scan3A_4 step %scan3A_5  : i32 {
      %mul3A_53 = arith.constant 1 : i32
      %mul3A_54 = arith.muli %scan3A_52, %mul3A_53 : i32
      %add3A_55 = arith.constant 0 : i32
      %add3A_56 = arith.addi %add3A_55, %mul3A_54 : i32
      %mul3A_57 = arith.constant 64 : i32
      %mul3A_58 = arith.muli %add3A_56, %mul3A_57 : i32
      %add3A_59 = arith.addi %mul3A_2, %mul3A_58 : i32
      "tpu.region"() ({
        %run_scoped3A = tpu.sem_alloc : memref<!tpu.dma_semaphore, #tpu.memory_space<semaphore_mem>>
        %dma_start3A_60 = arith.constant 0 : i32
        %dma_start3A_61 = tpu.memref_slice %arg10[%add3A_59, %dma_start3A_60] : memref<10240x128xf32, #tpu.memory_space<vmem_shared>> -> memref<64x128xf32, #tpu.memory_space<vmem_shared>>
        %dma_start3A_62 = arith.constant 0 : i32
        %dma_start3A_63 = tpu.memref_slice %arg10[%add3A_59, %dma_start3A_62] : memref<10240x128xf32, #tpu.memory_space<vmem_shared>> -> memref<64x128xf32, #tpu.memory_space<vmem_shared>>
        tpu.enqueue_dma source(%arg20 : memref<64x128xf32, #tpu.memory_space<vmem>>) target(%dma_start3A_63 : memref<64x128xf32, #tpu.memory_space<vmem_shared>>) target_semaphore(%run_scoped3A : memref<!tpu.dma_semaphore, #tpu.memory_space<semaphore_mem>>)
        %dma_wait3A_64 = arith.constant 0 : i32
        %dma_wait3A_65 = tpu.memref_slice %arg10[%add3A_59, %dma_wait3A_64] : memref<10240x128xf32, #tpu.memory_space<vmem_shared>> -> memref<64x128xf32, #tpu.memory_space<vmem_shared>>
        %dma_wait3A_66 = arith.constant 0 : i32
        %dma_wait3A_67 = tpu.memref_slice %arg10[%add3A_59, %dma_wait3A_66] : memref<10240x128xf32, #tpu.memory_space<vmem_shared>> -> memref<64x128xf32, #tpu.memory_space<vmem_shared>>
        tpu.wait_dma2 semaphore(%run_scoped3A : memref<!tpu.dma_semaphore, #tpu.memory_space<semaphore_mem>>) src(%arg20 : memref<64x128xf32, #tpu.memory_space<vmem>>) dst(%dma_wait3A_67 : memref<64x128xf32, #tpu.memory_space<vmem_shared>>)
        tpu.yield
      }) : () -> ()
    }
    %scan3A_6 = arith.constant 10 : i32
    %eq3A = arith.constant 0 : i32
    %eq3A_7 = arith.cmpi eq, %arg1, %eq3A : i32
    %convert_element_type3A = arith.extui %eq3A_7 : i1 to i32
    %cond3A = arith.constant 0 : i32
    %cond3A_8 = arith.cmpi ne, %convert_element_type3A, %cond3A : i32
    scf.if %cond3A_8 {
      "tpu.region"() ({
        %run_scoped3A = tpu.sem_alloc : memref<!tpu.dma_semaphore, #tpu.memory_space<semaphore_mem>>
        %dma_start3A_52 = arith.constant 0 : i32
        %dma_start3A_53 = arith.constant 0 : i32
        %dma_start3A_54 = tpu.memref_slice %arg11[%dma_start3A_52, %dma_start3A_53] : memref<136x128xf32, #tpu.memory_space<vmem_shared>> -> memref<64x128xf32, #tpu.memory_space<vmem_shared>>
        %dma_start3A_55 = arith.constant 0 : i32
        %dma_start3A_56 = arith.constant 0 : i32
        %dma_start3A_57 = tpu.memref_slice %arg11[%dma_start3A_55, %dma_start3A_56] : memref<136x128xf32, #tpu.memory_space<vmem_shared>> -> memref<64x128xf32, #tpu.memory_space<vmem_shared>>
        tpu.enqueue_dma source(%arg20 : memref<64x128xf32, #tpu.memory_space<vmem>>) target(%dma_start3A_57 : memref<64x128xf32, #tpu.memory_space<vmem_shared>>) target_semaphore(%run_scoped3A : memref<!tpu.dma_semaphore, #tpu.memory_space<semaphore_mem>>)
        %dma_wait3A_58 = arith.constant 0 : i32
        %dma_wait3A_59 = arith.constant 0 : i32
        %dma_wait3A_60 = tpu.memref_slice %arg11[%dma_wait3A_58, %dma_wait3A_59] : memref<136x128xf32, #tpu.memory_space<vmem_shared>> -> memref<64x128xf32, #tpu.memory_space<vmem_shared>>
        %dma_wait3A_61 = arith.constant 0 : i32
        %dma_wait3A_62 = arith.constant 0 : i32
        %dma_wait3A_63 = tpu.memref_slice %arg11[%dma_wait3A_61, %dma_wait3A_62] : memref<136x128xf32, #tpu.memory_space<vmem_shared>> -> memref<64x128xf32, #tpu.memory_space<vmem_shared>>
        tpu.wait_dma2 semaphore(%run_scoped3A : memref<!tpu.dma_semaphore, #tpu.memory_space<semaphore_mem>>) src(%arg20 : memref<64x128xf32, #tpu.memory_space<vmem>>) dst(%dma_wait3A_63 : memref<64x128xf32, #tpu.memory_space<vmem_shared>>)
        tpu.yield
      }) : () -> ()
      "tpu.region"() ({
        %run_scoped3A = tpu.sem_alloc : memref<!tpu.dma_semaphore, #tpu.memory_space<semaphore_mem>>
        %dma_start3A_52 = arith.constant 64 : i32
        %dma_start3A_53 = arith.constant 0 : i32
        %dma_start3A_54 = tpu.memref_slice %arg11[%dma_start3A_52, %dma_start3A_53] : memref<136x128xf32, #tpu.memory_space<vmem_shared>> -> memref<64x128xf32, #tpu.memory_space<vmem_shared>>
        %dma_start3A_55 = arith.constant 64 : i32
        %dma_start3A_56 = arith.constant 0 : i32
        %dma_start3A_57 = tpu.memref_slice %arg11[%dma_start3A_55, %dma_start3A_56] : memref<136x128xf32, #tpu.memory_space<vmem_shared>> -> memref<64x128xf32, #tpu.memory_space<vmem_shared>>
        tpu.enqueue_dma source(%arg20 : memref<64x128xf32, #tpu.memory_space<vmem>>) target(%dma_start3A_57 : memref<64x128xf32, #tpu.memory_space<vmem_shared>>) target_semaphore(%run_scoped3A : memref<!tpu.dma_semaphore, #tpu.memory_space<semaphore_mem>>)
        %dma_wait3A_58 = arith.constant 64 : i32
        %dma_wait3A_59 = arith.constant 0 : i32
        %dma_wait3A_60 = tpu.memref_slice %arg11[%dma_wait3A_58, %dma_wait3A_59] : memref<136x128xf32, #tpu.memory_space<vmem_shared>> -> memref<64x128xf32, #tpu.memory_space<vmem_shared>>
        %dma_wait3A_61 = arith.constant 64 : i32
        %dma_wait3A_62 = arith.constant 0 : i32
        %dma_wait3A_63 = tpu.memref_slice %arg11[%dma_wait3A_61, %dma_wait3A_62] : memref<136x128xf32, #tpu.memory_space<vmem_shared>> -> memref<64x128xf32, #tpu.memory_space<vmem_shared>>
        tpu.wait_dma2 semaphore(%run_scoped3A : memref<!tpu.dma_semaphore, #tpu.memory_space<semaphore_mem>>) src(%arg20 : memref<64x128xf32, #tpu.memory_space<vmem>>) dst(%dma_wait3A_63 : memref<64x128xf32, #tpu.memory_space<vmem_shared>>)
        tpu.yield
      }) : () -> ()
      "tpu.region"() ({
        %run_scoped3A = tpu.sem_alloc : memref<!tpu.dma_semaphore, #tpu.memory_space<semaphore_mem>>
        %dma_start3A_52 = arith.constant 0 : i32
        %dma_start3A_53 = arith.constant 0 : i32
        %dma_start3A_54 = tpu.memref_slice %arg20[%dma_start3A_52, %dma_start3A_53] : memref<64x128xf32, #tpu.memory_space<vmem>> -> memref<8x128xf32, #tpu.memory_space<vmem>>
        %dma_start3A_55 = arith.constant 128 : i32
        %dma_start3A_56 = arith.constant 0 : i32
        %dma_start3A_57 = tpu.memref_slice %arg11[%dma_start3A_55, %dma_start3A_56] : memref<136x128xf32, #tpu.memory_space<vmem_shared>> -> memref<8x128xf32, #tpu.memory_space<vmem_shared>>
        %dma_start3A_58 = arith.constant 128 : i32
        %dma_start3A_59 = arith.constant 0 : i32
        %dma_start3A_60 = tpu.memref_slice %arg11[%dma_start3A_58, %dma_start3A_59] : memref<136x128xf32, #tpu.memory_space<vmem_shared>> -> memref<8x128xf32, #tpu.memory_space<vmem_shared>>
        %dma_start3A_61 = arith.constant 0 : i32
        %dma_start3A_62 = arith.constant 0 : i32
        %dma_start3A_63 = tpu.memref_slice %arg20[%dma_start3A_61, %dma_start3A_62] : memref<64x128xf32, #tpu.memory_space<vmem>> -> memref<8x128xf32, #tpu.memory_space<vmem>>
        tpu.enqueue_dma source(%dma_start3A_63 : memref<8x128xf32, #tpu.memory_space<vmem>>) target(%dma_start3A_60 : memref<8x128xf32, #tpu.memory_space<vmem_shared>>) target_semaphore(%run_scoped3A : memref<!tpu.dma_semaphore, #tpu.memory_space<semaphore_mem>>)
        %dma_wait3A_64 = arith.constant 0 : i32
        %dma_wait3A_65 = arith.constant 0 : i32
        %dma_wait3A_66 = tpu.memref_slice %arg20[%dma_wait3A_64, %dma_wait3A_65] : memref<64x128xf32, #tpu.memory_space<vmem>> -> memref<8x128xf32, #tpu.memory_space<vmem>>
        %dma_wait3A_67 = arith.constant 128 : i32
        %dma_wait3A_68 = arith.constant 0 : i32
        %dma_wait3A_69 = tpu.memref_slice %arg11[%dma_wait3A_67, %dma_wait3A_68] : memref<136x128xf32, #tpu.memory_space<vmem_shared>> -> memref<8x128xf32, #tpu.memory_space<vmem_shared>>
        %dma_wait3A_70 = arith.constant 128 : i32
        %dma_wait3A_71 = arith.constant 0 : i32
        %dma_wait3A_72 = tpu.memref_slice %arg11[%dma_wait3A_70, %dma_wait3A_71] : memref<136x128xf32, #tpu.memory_space<vmem_shared>> -> memref<8x128xf32, #tpu.memory_space<vmem_shared>>
        %dma_wait3A_73 = arith.constant 0 : i32
        %dma_wait3A_74 = arith.constant 0 : i32
        %dma_wait3A_75 = tpu.memref_slice %arg20[%dma_wait3A_73, %dma_wait3A_74] : memref<64x128xf32, #tpu.memory_space<vmem>> -> memref<8x128xf32, #tpu.memory_space<vmem>>
        tpu.wait_dma2 semaphore(%run_scoped3A : memref<!tpu.dma_semaphore, #tpu.memory_space<semaphore_mem>>) src(%dma_wait3A_75 : memref<8x128xf32, #tpu.memory_space<vmem>>) dst(%dma_wait3A_72 : memref<8x128xf32, #tpu.memory_space<vmem_shared>>)
        tpu.yield
      }) : () -> ()
    } else {
    }
    %eq3A_9 = arith.constant 1 : i32
    %eq3A_10 = arith.cmpi eq, %arg1, %eq3A_9 : i32
    %convert_element_type3A_11 = arith.extui %eq3A_10 : i1 to i32
    %cond3A_12 = arith.constant 0 : i32
    %cond3A_13 = arith.cmpi ne, %convert_element_type3A_11, %cond3A_12 : i32
    scf.if %cond3A_13 {
      "tpu.region"() ({
        %run_scoped3A = tpu.sem_alloc : memref<!tpu.dma_semaphore, #tpu.memory_space<semaphore_mem>>
        %dma_start3A_52 = arith.constant 0 : i32
        %dma_start3A_53 = arith.constant 0 : i32
        %dma_start3A_54 = tpu.memref_slice %arg12[%dma_start3A_52, %dma_start3A_53] : memref<136x128xf32, #tpu.memory_space<vmem_shared>> -> memref<64x128xf32, #tpu.memory_space<vmem_shared>>
        %dma_start3A_55 = arith.constant 0 : i32
        %dma_start3A_56 = arith.constant 0 : i32
        %dma_start3A_57 = tpu.memref_slice %arg12[%dma_start3A_55, %dma_start3A_56] : memref<136x128xf32, #tpu.memory_space<vmem_shared>> -> memref<64x128xf32, #tpu.memory_space<vmem_shared>>
        tpu.enqueue_dma source(%arg20 : memref<64x128xf32, #tpu.memory_space<vmem>>) target(%dma_start3A_57 : memref<64x128xf32, #tpu.memory_space<vmem_shared>>) target_semaphore(%run_scoped3A : memref<!tpu.dma_semaphore, #tpu.memory_space<semaphore_mem>>)
        %dma_wait3A_58 = arith.constant 0 : i32
        %dma_wait3A_59 = arith.constant 0 : i32
        %dma_wait3A_60 = tpu.memref_slice %arg12[%dma_wait3A_58, %dma_wait3A_59] : memref<136x128xf32, #tpu.memory_space<vmem_shared>> -> memref<64x128xf32, #tpu.memory_space<vmem_shared>>
        %dma_wait3A_61 = arith.constant 0 : i32
        %dma_wait3A_62 = arith.constant 0 : i32
        %dma_wait3A_63 = tpu.memref_slice %arg12[%dma_wait3A_61, %dma_wait3A_62] : memref<136x128xf32, #tpu.memory_space<vmem_shared>> -> memref<64x128xf32, #tpu.memory_space<vmem_shared>>
        tpu.wait_dma2 semaphore(%run_scoped3A : memref<!tpu.dma_semaphore, #tpu.memory_space<semaphore_mem>>) src(%arg20 : memref<64x128xf32, #tpu.memory_space<vmem>>) dst(%dma_wait3A_63 : memref<64x128xf32, #tpu.memory_space<vmem_shared>>)
        tpu.yield
      }) : () -> ()
      "tpu.region"() ({
        %run_scoped3A = tpu.sem_alloc : memref<!tpu.dma_semaphore, #tpu.memory_space<semaphore_mem>>
        %dma_start3A_52 = arith.constant 64 : i32
        %dma_start3A_53 = arith.constant 0 : i32
        %dma_start3A_54 = tpu.memref_slice %arg12[%dma_start3A_52, %dma_start3A_53] : memref<136x128xf32, #tpu.memory_space<vmem_shared>> -> memref<64x128xf32, #tpu.memory_space<vmem_shared>>
        %dma_start3A_55 = arith.constant 64 : i32
        %dma_start3A_56 = arith.constant 0 : i32
        %dma_start3A_57 = tpu.memref_slice %arg12[%dma_start3A_55, %dma_start3A_56] : memref<136x128xf32, #tpu.memory_space<vmem_shared>> -> memref<64x128xf32, #tpu.memory_space<vmem_shared>>
        tpu.enqueue_dma source(%arg20 : memref<64x128xf32, #tpu.memory_space<vmem>>) target(%dma_start3A_57 : memref<64x128xf32, #tpu.memory_space<vmem_shared>>) target_semaphore(%run_scoped3A : memref<!tpu.dma_semaphore, #tpu.memory_space<semaphore_mem>>)
        %dma_wait3A_58 = arith.constant 64 : i32
        %dma_wait3A_59 = arith.constant 0 : i32
        %dma_wait3A_60 = tpu.memref_slice %arg12[%dma_wait3A_58, %dma_wait3A_59] : memref<136x128xf32, #tpu.memory_space<vmem_shared>> -> memref<64x128xf32, #tpu.memory_space<vmem_shared>>
        %dma_wait3A_61 = arith.constant 64 : i32
        %dma_wait3A_62 = arith.constant 0 : i32
        %dma_wait3A_63 = tpu.memref_slice %arg12[%dma_wait3A_61, %dma_wait3A_62] : memref<136x128xf32, #tpu.memory_space<vmem_shared>> -> memref<64x128xf32, #tpu.memory_space<vmem_shared>>
        tpu.wait_dma2 semaphore(%run_scoped3A : memref<!tpu.dma_semaphore, #tpu.memory_space<semaphore_mem>>) src(%arg20 : memref<64x128xf32, #tpu.memory_space<vmem>>) dst(%dma_wait3A_63 : memref<64x128xf32, #tpu.memory_space<vmem_shared>>)
        tpu.yield
      }) : () -> ()
      "tpu.region"() ({
        %run_scoped3A = tpu.sem_alloc : memref<!tpu.dma_semaphore, #tpu.memory_space<semaphore_mem>>
        %dma_start3A_52 = arith.constant 0 : i32
        %dma_start3A_53 = arith.constant 0 : i32
        %dma_start3A_54 = tpu.memref_slice %arg20[%dma_start3A_52, %dma_start3A_53] : memref<64x128xf32, #tpu.memory_space<vmem>> -> memref<8x128xf32, #tpu.memory_space<vmem>>
        %dma_start3A_55 = arith.constant 128 : i32
        %dma_start3A_56 = arith.constant 0 : i32
        %dma_start3A_57 = tpu.memref_slice %arg12[%dma_start3A_55, %dma_start3A_56] : memref<136x128xf32, #tpu.memory_space<vmem_shared>> -> memref<8x128xf32, #tpu.memory_space<vmem_shared>>
        %dma_start3A_58 = arith.constant 128 : i32
        %dma_start3A_59 = arith.constant 0 : i32
        %dma_start3A_60 = tpu.memref_slice %arg12[%dma_start3A_58, %dma_start3A_59] : memref<136x128xf32, #tpu.memory_space<vmem_shared>> -> memref<8x128xf32, #tpu.memory_space<vmem_shared>>
        %dma_start3A_61 = arith.constant 0 : i32
        %dma_start3A_62 = arith.constant 0 : i32
        %dma_start3A_63 = tpu.memref_slice %arg20[%dma_start3A_61, %dma_start3A_62] : memref<64x128xf32, #tpu.memory_space<vmem>> -> memref<8x128xf32, #tpu.memory_space<vmem>>
        tpu.enqueue_dma source(%dma_start3A_63 : memref<8x128xf32, #tpu.memory_space<vmem>>) target(%dma_start3A_60 : memref<8x128xf32, #tpu.memory_space<vmem_shared>>) target_semaphore(%run_scoped3A : memref<!tpu.dma_semaphore, #tpu.memory_space<semaphore_mem>>)
        %dma_wait3A_64 = arith.constant 0 : i32
        %dma_wait3A_65 = arith.constant 0 : i32
        %dma_wait3A_66 = tpu.memref_slice %arg20[%dma_wait3A_64, %dma_wait3A_65] : memref<64x128xf32, #tpu.memory_space<vmem>> -> memref<8x128xf32, #tpu.memory_space<vmem>>
        %dma_wait3A_67 = arith.constant 128 : i32
        %dma_wait3A_68 = arith.constant 0 : i32
        %dma_wait3A_69 = tpu.memref_slice %arg12[%dma_wait3A_67, %dma_wait3A_68] : memref<136x128xf32, #tpu.memory_space<vmem_shared>> -> memref<8x128xf32, #tpu.memory_space<vmem_shared>>
        %dma_wait3A_70 = arith.constant 128 : i32
        %dma_wait3A_71 = arith.constant 0 : i32
        %dma_wait3A_72 = tpu.memref_slice %arg12[%dma_wait3A_70, %dma_wait3A_71] : memref<136x128xf32, #tpu.memory_space<vmem_shared>> -> memref<8x128xf32, #tpu.memory_space<vmem_shared>>
        %dma_wait3A_73 = arith.constant 0 : i32
        %dma_wait3A_74 = arith.constant 0 : i32
        %dma_wait3A_75 = tpu.memref_slice %arg20[%dma_wait3A_73, %dma_wait3A_74] : memref<64x128xf32, #tpu.memory_space<vmem>> -> memref<8x128xf32, #tpu.memory_space<vmem>>
        tpu.wait_dma2 semaphore(%run_scoped3A : memref<!tpu.dma_semaphore, #tpu.memory_space<semaphore_mem>>) src(%dma_wait3A_75 : memref<8x128xf32, #tpu.memory_space<vmem>>) dst(%dma_wait3A_72 : memref<8x128xf32, #tpu.memory_space<vmem_shared>>)
        tpu.yield
      }) : () -> ()
    } else {
    }
    %barrier3A = arith.constant 0 : index
    tpu.barrier barrier_id(%barrier3A)
    %mul3A_14 = arith.constant 80 : i32
    %mul3A_15 = arith.muli %add3A, %mul3A_14 : i32
    %mul3A_16 = arith.constant 128 : i32
    %mul3A_17 = arith.muli %mul3A_15, %mul3A_16 : i32
    %dma_start3A = tpu.memref_slice %arg4[%mul3A_17] : memref<327680xi32, #tpu.memory_space<hbm>> -> memref<128xi32, #tpu.memory_space<hbm>>
    %dma_start3A_18 = tpu.memref_slice %arg4[%mul3A_17] : memref<327680xi32, #tpu.memory_space<hbm>> -> memref<128xi32, #tpu.memory_space<hbm>>
    tpu.enqueue_dma source(%dma_start3A_18 : memref<128xi32, #tpu.memory_space<hbm>>) target(%arg13 : memref<128xi32, #tpu.memory_space<vmem>>) target_semaphore(%arg26 : memref<!tpu.dma_semaphore, #tpu.memory_space<semaphore_mem>>)
    %dma_start3A_19 = tpu.memref_slice %arg3[%mul3A_17] : memref<327680xi32, #tpu.memory_space<hbm>> -> memref<128xi32, #tpu.memory_space<hbm>>
    %dma_start3A_20 = tpu.memref_slice %arg3[%mul3A_17] : memref<327680xi32, #tpu.memory_space<hbm>> -> memref<128xi32, #tpu.memory_space<hbm>>
    tpu.enqueue_dma source(%dma_start3A_20 : memref<128xi32, #tpu.memory_space<hbm>>) target(%arg14 : memref<128xi32, #tpu.memory_space<vmem>>) target_semaphore(%arg26 : memref<!tpu.dma_semaphore, #tpu.memory_space<semaphore_mem>>)
    %dma_wait3A = tpu.memref_slice %arg4[%mul3A_17] : memref<327680xi32, #tpu.memory_space<hbm>> -> memref<128xi32, #tpu.memory_space<hbm>>
    %dma_wait3A_21 = tpu.memref_slice %arg4[%mul3A_17] : memref<327680xi32, #tpu.memory_space<hbm>> -> memref<128xi32, #tpu.memory_space<hbm>>
    tpu.wait_dma2 semaphore(%arg26 : memref<!tpu.dma_semaphore, #tpu.memory_space<semaphore_mem>>) src(%dma_wait3A_21 : memref<128xi32, #tpu.memory_space<hbm>>) dst(%arg13 : memref<128xi32, #tpu.memory_space<vmem>>)
    %dma_wait3A_22 = tpu.memref_slice %arg3[%mul3A_17] : memref<327680xi32, #tpu.memory_space<hbm>> -> memref<128xi32, #tpu.memory_space<hbm>>
    %dma_wait3A_23 = tpu.memref_slice %arg3[%mul3A_17] : memref<327680xi32, #tpu.memory_space<hbm>> -> memref<128xi32, #tpu.memory_space<hbm>>
    tpu.wait_dma2 semaphore(%arg26 : memref<!tpu.dma_semaphore, #tpu.memory_space<semaphore_mem>>) src(%dma_wait3A_23 : memref<128xi32, #tpu.memory_space<hbm>>) dst(%arg14 : memref<128xi32, #tpu.memory_space<vmem>>)
    %dma_start3A_24 = arith.constant 0 : i32
    %dma_start3A_25 = arith.constant 0 : i32
    %dma_start3A_26 = tpu.memref_slice %arg2[%dma_start3A_24, %dma_start3A_25] : memref<10240x128xf32, #tpu.memory_space<hbm>> -> memref<10240x128xf32, #tpu.memory_space<hbm>>
    tpu.enqueue_indirect_dma source(%dma_start3A_26 : memref<10240x128xf32, #tpu.memory_space<hbm>>) target(%arg18 : memref<128x128xf32, #tpu.memory_space<vmem>>) offsets(%arg13 : memref<128xi32, #tpu.memory_space<vmem>>) semaphore(%arg22 : memref<!tpu.dma_semaphore, #tpu.memory_space<semaphore_mem>>)
    %scan3A_27 = arith.constant 0 : i32
    %scan3A_28 = arith.constant 40 : i32
    %scan3A_29 = arith.addi %scan3A_27, %scan3A_28 : i32
    %scan3A_30 = arith.constant 1 : i32
    scf.for %scan3A_52 = %scan3A_27 to %scan3A_29 step %scan3A_30  : i32 {
      %mul3A_53 = arith.constant 2 : i32
      %mul3A_54 = arith.muli %scan3A_52, %mul3A_53 : i32
      %add3A_55 = arith.constant 0 : i32
      %add3A_56 = arith.addi %add3A_55, %mul3A_54 : i32
      %gt3A = arith.constant 0 : i32
      %gt3A_57 = arith.cmpi sgt, %add3A_56, %gt3A : i32
      %convert_element_type3A_58 = arith.extui %gt3A_57 : i1 to i32
      %cond3A_59 = arith.constant 0 : i32
      %cond3A_60 = arith.cmpi ne, %convert_element_type3A_58, %cond3A_59 : i32
      scf.if %cond3A_60 {
        %dma_wait3A_114 = arith.constant 0 : i32
        %dma_wait3A_115 = arith.constant 0 : i32
        %dma_wait3A_116 = tpu.memref_slice %arg10[%dma_wait3A_114, %dma_wait3A_115] : memref<10240x128xf32, #tpu.memory_space<vmem_shared>> -> memref<10240x128xf32, #tpu.memory_space<vmem_shared>>
        tpu.wait_indirect_dma semaphore(%arg25 : memref<!tpu.dma_semaphore, #tpu.memory_space<semaphore_mem>>) src(%arg19 : memref<128x128xf32, #tpu.memory_space<vmem>>) dst(%dma_wait3A_116 : memref<10240x128xf32, #tpu.memory_space<vmem_shared>>)
      } else {
      }
      %mul3A_61 = arith.constant 80 : i32
      %mul3A_62 = arith.muli %add3A, %mul3A_61 : i32
      %add3A_63 = arith.addi %mul3A_62, %add3A_56 : i32
      %add3A_64 = arith.constant 1 : i32
      %add3A_65 = arith.addi %add3A_63, %add3A_64 : i32
      %mul3A_66 = arith.constant 128 : i32
      %mul3A_67 = arith.muli %add3A_65, %mul3A_66 : i32
      %dma_start3A_68 = tpu.memref_slice %arg4[%mul3A_67] : memref<327680xi32, #tpu.memory_space<hbm>> -> memref<128xi32, #tpu.memory_space<hbm>>
      %dma_start3A_69 = tpu.memref_slice %arg4[%mul3A_67] : memref<327680xi32, #tpu.memory_space<hbm>> -> memref<128xi32, #tpu.memory_space<hbm>>
      tpu.enqueue_dma source(%dma_start3A_69 : memref<128xi32, #tpu.memory_space<hbm>>) target(%arg15 : memref<128xi32, #tpu.memory_space<vmem>>) target_semaphore(%arg27 : memref<!tpu.dma_semaphore, #tpu.memory_space<semaphore_mem>>)
      %dma_start3A_70 = tpu.memref_slice %arg3[%mul3A_67] : memref<327680xi32, #tpu.memory_space<hbm>> -> memref<128xi32, #tpu.memory_space<hbm>>
      %dma_start3A_71 = tpu.memref_slice %arg3[%mul3A_67] : memref<327680xi32, #tpu.memory_space<hbm>> -> memref<128xi32, #tpu.memory_space<hbm>>
      tpu.enqueue_dma source(%dma_start3A_71 : memref<128xi32, #tpu.memory_space<hbm>>) target(%arg16 : memref<128xi32, #tpu.memory_space<vmem>>) target_semaphore(%arg27 : memref<!tpu.dma_semaphore, #tpu.memory_space<semaphore_mem>>)
      %dma_wait3A_72 = arith.constant 0 : i32
      %dma_wait3A_73 = arith.constant 0 : i32
      %dma_wait3A_74 = tpu.memref_slice %arg2[%dma_wait3A_72, %dma_wait3A_73] : memref<10240x128xf32, #tpu.memory_space<hbm>> -> memref<10240x128xf32, #tpu.memory_space<hbm>>
      tpu.wait_indirect_dma semaphore(%arg22 : memref<!tpu.dma_semaphore, #tpu.memory_space<semaphore_mem>>) src(%dma_wait3A_74 : memref<10240x128xf32, #tpu.memory_space<hbm>>) dst(%arg18 : memref<128x128xf32, #tpu.memory_space<vmem>>)
      %dma_start3A_75 = arith.constant 0 : i32
      %dma_start3A_76 = arith.constant 0 : i32
      %dma_start3A_77 = tpu.memref_slice %arg10[%dma_start3A_75, %dma_start3A_76] : memref<10240x128xf32, #tpu.memory_space<vmem_shared>> -> memref<10240x128xf32, #tpu.memory_space<vmem_shared>>
      tpu.enqueue_indirect_dma source(%arg18 : memref<128x128xf32, #tpu.memory_space<vmem>>) target(%dma_start3A_77 : memref<10240x128xf32, #tpu.memory_space<vmem_shared>>) offsets(%arg14 : memref<128xi32, #tpu.memory_space<vmem>>) semaphore(%arg24 : memref<!tpu.dma_semaphore, #tpu.memory_space<semaphore_mem>>) {add = true}
      %dma_wait3A_78 = tpu.memref_slice %arg4[%mul3A_67] : memref<327680xi32, #tpu.memory_space<hbm>> -> memref<128xi32, #tpu.memory_space<hbm>>
      %dma_wait3A_79 = tpu.memref_slice %arg4[%mul3A_67] : memref<327680xi32, #tpu.memory_space<hbm>> -> memref<128xi32, #tpu.memory_space<hbm>>
      tpu.wait_dma2 semaphore(%arg27 : memref<!tpu.dma_semaphore, #tpu.memory_space<semaphore_mem>>) src(%dma_wait3A_79 : memref<128xi32, #tpu.memory_space<hbm>>) dst(%arg15 : memref<128xi32, #tpu.memory_space<vmem>>)
      %dma_wait3A_80 = tpu.memref_slice %arg3[%mul3A_67] : memref<327680xi32, #tpu.memory_space<hbm>> -> memref<128xi32, #tpu.memory_space<hbm>>
      %dma_wait3A_81 = tpu.memref_slice %arg3[%mul3A_67] : memref<327680xi32, #tpu.memory_space<hbm>> -> memref<128xi32, #tpu.memory_space<hbm>>
      tpu.wait_dma2 semaphore(%arg27 : memref<!tpu.dma_semaphore, #tpu.memory_space<semaphore_mem>>) src(%dma_wait3A_81 : memref<128xi32, #tpu.memory_space<hbm>>) dst(%arg16 : memref<128xi32, #tpu.memory_space<vmem>>)
      %dma_start3A_82 = arith.constant 0 : i32
      %dma_start3A_83 = arith.constant 0 : i32
      %dma_start3A_84 = tpu.memref_slice %arg2[%dma_start3A_82, %dma_start3A_83] : memref<10240x128xf32, #tpu.memory_space<hbm>> -> memref<10240x128xf32, #tpu.memory_space<hbm>>
      tpu.enqueue_indirect_dma source(%dma_start3A_84 : memref<10240x128xf32, #tpu.memory_space<hbm>>) target(%arg19 : memref<128x128xf32, #tpu.memory_space<vmem>>) offsets(%arg15 : memref<128xi32, #tpu.memory_space<vmem>>) semaphore(%arg23 : memref<!tpu.dma_semaphore, #tpu.memory_space<semaphore_mem>>)
      %dma_wait3A_85 = arith.constant 0 : i32
      %dma_wait3A_86 = arith.constant 0 : i32
      %dma_wait3A_87 = tpu.memref_slice %arg10[%dma_wait3A_85, %dma_wait3A_86] : memref<10240x128xf32, #tpu.memory_space<vmem_shared>> -> memref<10240x128xf32, #tpu.memory_space<vmem_shared>>
      tpu.wait_indirect_dma semaphore(%arg24 : memref<!tpu.dma_semaphore, #tpu.memory_space<semaphore_mem>>) src(%arg18 : memref<128x128xf32, #tpu.memory_space<vmem>>) dst(%dma_wait3A_87 : memref<10240x128xf32, #tpu.memory_space<vmem_shared>>)
      %mul3A_88 = arith.constant 80 : i32
      %mul3A_89 = arith.muli %add3A, %mul3A_88 : i32
      %add3A_90 = arith.addi %mul3A_89, %add3A_56 : i32
      %add3A_91 = arith.constant 2 : i32
      %add3A_92 = arith.addi %add3A_90, %add3A_91 : i32
      %mul3A_93 = arith.constant 128 : i32
      %mul3A_94 = arith.muli %add3A_92, %mul3A_93 : i32
      %add3A_95 = arith.constant 2 : i32
      %add3A_96 = arith.addi %add3A_56, %add3A_95 : i32
      %lt3A = arith.constant 80 : i32
      %lt3A_97 = arith.cmpi slt, %add3A_96, %lt3A : i32
      %convert_element_type3A_98 = arith.extui %lt3A_97 : i1 to i32
      %cond3A_99 = arith.constant 0 : i32
      %cond3A_100 = arith.cmpi ne, %convert_element_type3A_98, %cond3A_99 : i32
      scf.if %cond3A_100 {
        %dma_start3A_114 = tpu.memref_slice %arg4[%mul3A_94] : memref<327680xi32, #tpu.memory_space<hbm>> -> memref<128xi32, #tpu.memory_space<hbm>>
        %dma_start3A_115 = tpu.memref_slice %arg4[%mul3A_94] : memref<327680xi32, #tpu.memory_space<hbm>> -> memref<128xi32, #tpu.memory_space<hbm>>
        tpu.enqueue_dma source(%dma_start3A_115 : memref<128xi32, #tpu.memory_space<hbm>>) target(%arg13 : memref<128xi32, #tpu.memory_space<vmem>>) target_semaphore(%arg26 : memref<!tpu.dma_semaphore, #tpu.memory_space<semaphore_mem>>)
        %dma_start3A_116 = tpu.memref_slice %arg3[%mul3A_94] : memref<327680xi32, #tpu.memory_space<hbm>> -> memref<128xi32, #tpu.memory_space<hbm>>
        %dma_start3A_117 = tpu.memref_slice %arg3[%mul3A_94] : memref<327680xi32, #tpu.memory_space<hbm>> -> memref<128xi32, #tpu.memory_space<hbm>>
        tpu.enqueue_dma source(%dma_start3A_117 : memref<128xi32, #tpu.memory_space<hbm>>) target(%arg14 : memref<128xi32, #tpu.memory_space<vmem>>) target_semaphore(%arg26 : memref<!tpu.dma_semaphore, #tpu.memory_space<semaphore_mem>>)
      } else {
      }
      %dma_wait3A_101 = arith.constant 0 : i32
      %dma_wait3A_102 = arith.constant 0 : i32
      %dma_wait3A_103 = tpu.memref_slice %arg2[%dma_wait3A_101, %dma_wait3A_102] : memref<10240x128xf32, #tpu.memory_space<hbm>> -> memref<10240x128xf32, #tpu.memory_space<hbm>>
      tpu.wait_indirect_dma semaphore(%arg23 : memref<!tpu.dma_semaphore, #tpu.memory_space<semaphore_mem>>) src(%dma_wait3A_103 : memref<10240x128xf32, #tpu.memory_space<hbm>>) dst(%arg19 : memref<128x128xf32, #tpu.memory_space<vmem>>)
      %dma_start3A_104 = arith.constant 0 : i32
      %dma_start3A_105 = arith.constant 0 : i32
      %dma_start3A_106 = tpu.memref_slice %arg10[%dma_start3A_104, %dma_start3A_105] : memref<10240x128xf32, #tpu.memory_space<vmem_shared>> -> memref<10240x128xf32, #tpu.memory_space<vmem_shared>>
      tpu.enqueue_indirect_dma source(%arg19 : memref<128x128xf32, #tpu.memory_space<vmem>>) target(%dma_start3A_106 : memref<10240x128xf32, #tpu.memory_space<vmem_shared>>) offsets(%arg16 : memref<128xi32, #tpu.memory_space<vmem>>) semaphore(%arg25 : memref<!tpu.dma_semaphore, #tpu.memory_space<semaphore_mem>>) {add = true}
      %add3A_107 = arith.constant 2 : i32
      %add3A_108 = arith.addi %add3A_56, %add3A_107 : i32
      %lt3A_109 = arith.constant 80 : i32
      %lt3A_110 = arith.cmpi slt, %add3A_108, %lt3A_109 : i32
      %convert_element_type3A_111 = arith.extui %lt3A_110 : i1 to i32
      %cond3A_112 = arith.constant 0 : i32
      %cond3A_113 = arith.cmpi ne, %convert_element_type3A_111, %cond3A_112 : i32
      scf.if %cond3A_113 {
        %dma_wait3A_114 = tpu.memref_slice %arg4[%mul3A_94] : memref<327680xi32, #tpu.memory_space<hbm>> -> memref<128xi32, #tpu.memory_space<hbm>>
        %dma_wait3A_115 = tpu.memref_slice %arg4[%mul3A_94] : memref<327680xi32, #tpu.memory_space<hbm>> -> memref<128xi32, #tpu.memory_space<hbm>>
        tpu.wait_dma2 semaphore(%arg26 : memref<!tpu.dma_semaphore, #tpu.memory_space<semaphore_mem>>) src(%dma_wait3A_115 : memref<128xi32, #tpu.memory_space<hbm>>) dst(%arg13 : memref<128xi32, #tpu.memory_space<vmem>>)
        %dma_wait3A_116 = tpu.memref_slice %arg3[%mul3A_94] : memref<327680xi32, #tpu.memory_space<hbm>> -> memref<128xi32, #tpu.memory_space<hbm>>
        %dma_wait3A_117 = tpu.memref_slice %arg3[%mul3A_94] : memref<327680xi32, #tpu.memory_space<hbm>> -> memref<128xi32, #tpu.memory_space<hbm>>
        tpu.wait_dma2 semaphore(%arg26 : memref<!tpu.dma_semaphore, #tpu.memory_space<semaphore_mem>>) src(%dma_wait3A_117 : memref<128xi32, #tpu.memory_space<hbm>>) dst(%arg14 : memref<128xi32, #tpu.memory_space<vmem>>)
        %dma_start3A_118 = arith.constant 0 : i32
        %dma_start3A_119 = arith.constant 0 : i32
        %dma_start3A_120 = tpu.memref_slice %arg2[%dma_start3A_118, %dma_start3A_119] : memref<10240x128xf32, #tpu.memory_space<hbm>> -> memref<10240x128xf32, #tpu.memory_space<hbm>>
        tpu.enqueue_indirect_dma source(%dma_start3A_120 : memref<10240x128xf32, #tpu.memory_space<hbm>>) target(%arg18 : memref<128x128xf32, #tpu.memory_space<vmem>>) offsets(%arg13 : memref<128xi32, #tpu.memory_space<vmem>>) semaphore(%arg22 : memref<!tpu.dma_semaphore, #tpu.memory_space<semaphore_mem>>)
      } else {
      }
    }
    %scan3A_31 = arith.constant 40 : i32
    %dma_wait3A_32 = arith.constant 0 : i32
    %dma_wait3A_33 = arith.constant 0 : i32
    %dma_wait3A_34 = tpu.memref_slice %arg10[%dma_wait3A_32, %dma_wait3A_33] : memref<10240x128xf32, #tpu.memory_space<vmem_shared>> -> memref<10240x128xf32, #tpu.memory_space<vmem_shared>>
    tpu.wait_indirect_dma semaphore(%arg25 : memref<!tpu.dma_semaphore, #tpu.memory_space<semaphore_mem>>) src(%arg19 : memref<128x128xf32, #tpu.memory_space<vmem>>) dst(%dma_wait3A_34 : memref<10240x128xf32, #tpu.memory_space<vmem_shared>>)
    %barrier3A_35 = arith.constant 0 : index
    tpu.barrier barrier_id(%barrier3A_35)
    "tpu.region"() ({
      %run_scoped3A = tpu.sem_alloc : memref<!tpu.dma_semaphore, #tpu.memory_space<semaphore_mem>>
      tpu.enqueue_dma source(%arg7 : memref<128x128xf32, #tpu.memory_space<hbm>>) target(%arg19 : memref<128x128xf32, #tpu.memory_space<vmem>>) target_semaphore(%run_scoped3A : memref<!tpu.dma_semaphore, #tpu.memory_space<semaphore_mem>>)
      tpu.wait_dma2 semaphore(%run_scoped3A : memref<!tpu.dma_semaphore, #tpu.memory_space<semaphore_mem>>) src(%arg7 : memref<128x128xf32, #tpu.memory_space<hbm>>) dst(%arg19 : memref<128x128xf32, #tpu.memory_space<vmem>>)
      tpu.yield
    }) : () -> ()
    %scan3A_36 = arith.constant 0 : i32
    %scan3A_37 = arith.constant 5 : i32
    %scan3A_38 = arith.addi %scan3A_36, %scan3A_37 : i32
    %scan3A_39 = arith.constant 1 : i32
    scf.for %scan3A_52 = %scan3A_36 to %scan3A_38 step %scan3A_39  : i32 {
      %mul3A_53 = arith.constant 1 : i32
      %mul3A_54 = arith.muli %scan3A_52, %mul3A_53 : i32
      %add3A_55 = arith.constant 0 : i32
      %add3A_56 = arith.addi %add3A_55, %mul3A_54 : i32
      %mul3A_57 = arith.constant 128 : i32
      %mul3A_58 = arith.muli %add3A_56, %mul3A_57 : i32
      %add3A_59 = arith.addi %mul3A_2, %mul3A_58 : i32
      "tpu.region"() ({
        %run_scoped3A = tpu.sem_alloc : memref<!tpu.dma_semaphore, #tpu.memory_space<semaphore_mem>>
        %dma_start3A_60 = tpu.memref_slice %arg5[%add3A_59] : memref<10240xi32, #tpu.memory_space<hbm>> -> memref<128xi32, #tpu.memory_space<hbm>>
        %dma_start3A_61 = tpu.memref_slice %arg5[%add3A_59] : memref<10240xi32, #tpu.memory_space<hbm>> -> memref<128xi32, #tpu.memory_space<hbm>>
        tpu.enqueue_dma source(%dma_start3A_61 : memref<128xi32, #tpu.memory_space<hbm>>) target(%arg17 : memref<128xi32, #tpu.memory_space<vmem>>) target_semaphore(%run_scoped3A : memref<!tpu.dma_semaphore, #tpu.memory_space<semaphore_mem>>)
        %dma_wait3A_62 = tpu.memref_slice %arg5[%add3A_59] : memref<10240xi32, #tpu.memory_space<hbm>> -> memref<128xi32, #tpu.memory_space<hbm>>
        %dma_wait3A_63 = tpu.memref_slice %arg5[%add3A_59] : memref<10240xi32, #tpu.memory_space<hbm>> -> memref<128xi32, #tpu.memory_space<hbm>>
        tpu.wait_dma2 semaphore(%run_scoped3A : memref<!tpu.dma_semaphore, #tpu.memory_space<semaphore_mem>>) src(%dma_wait3A_63 : memref<128xi32, #tpu.memory_space<hbm>>) dst(%arg17 : memref<128xi32, #tpu.memory_space<vmem>>)
        tpu.yield
      }) : () -> ()
      "tpu.region"() ({
        %run_scoped3A = tpu.sem_alloc : memref<!tpu.dma_semaphore, #tpu.memory_space<semaphore_mem>>
        %dma_start3A_60 = arith.constant 0 : i32
        %dma_start3A_61 = tpu.memref_slice %arg10[%add3A_59, %dma_start3A_60] : memref<10240x128xf32, #tpu.memory_space<vmem_shared>> -> memref<128x128xf32, #tpu.memory_space<vmem_shared>>
        %dma_start3A_62 = arith.constant 0 : i32
        %dma_start3A_63 = tpu.memref_slice %arg10[%add3A_59, %dma_start3A_62] : memref<10240x128xf32, #tpu.memory_space<vmem_shared>> -> memref<128x128xf32, #tpu.memory_space<vmem_shared>>
        tpu.enqueue_dma source(%dma_start3A_63 : memref<128x128xf32, #tpu.memory_space<vmem_shared>>) target(%arg18 : memref<128x128xf32, #tpu.memory_space<vmem>>) target_semaphore(%run_scoped3A : memref<!tpu.dma_semaphore, #tpu.memory_space<semaphore_mem>>)
        %dma_wait3A_64 = arith.constant 0 : i32
        %dma_wait3A_65 = tpu.memref_slice %arg10[%add3A_59, %dma_wait3A_64] : memref<10240x128xf32, #tpu.memory_space<vmem_shared>> -> memref<128x128xf32, #tpu.memory_space<vmem_shared>>
        %dma_wait3A_66 = arith.constant 0 : i32
        %dma_wait3A_67 = tpu.memref_slice %arg10[%add3A_59, %dma_wait3A_66] : memref<10240x128xf32, #tpu.memory_space<vmem_shared>> -> memref<128x128xf32, #tpu.memory_space<vmem_shared>>
        tpu.wait_dma2 semaphore(%run_scoped3A : memref<!tpu.dma_semaphore, #tpu.memory_space<semaphore_mem>>) src(%dma_wait3A_67 : memref<128x128xf32, #tpu.memory_space<vmem_shared>>) dst(%arg18 : memref<128x128xf32, #tpu.memory_space<vmem>>)
        tpu.yield
      }) : () -> ()
      "tpu.region"() ({
        %run_scoped3A = tpu.sem_alloc : memref<!tpu.dma_semaphore, #tpu.memory_space<semaphore_mem>>
        %dma_start3A_60 = arith.constant 0 : i32
        %dma_start3A_61 = arith.constant 0 : i32
        %dma_start3A_62 = tpu.memref_slice %arg11[%dma_start3A_60, %dma_start3A_61] : memref<136x128xf32, #tpu.memory_space<vmem_shared>> -> memref<136x128xf32, #tpu.memory_space<vmem_shared>>
        tpu.enqueue_indirect_dma source(%arg18 : memref<128x128xf32, #tpu.memory_space<vmem>>) target(%dma_start3A_62 : memref<136x128xf32, #tpu.memory_space<vmem_shared>>) offsets(%arg17 : memref<128xi32, #tpu.memory_space<vmem>>) semaphore(%run_scoped3A : memref<!tpu.dma_semaphore, #tpu.memory_space<semaphore_mem>>) {add = true}
        %dma_wait3A_63 = arith.constant 0 : i32
        %dma_wait3A_64 = arith.constant 0 : i32
        %dma_wait3A_65 = tpu.memref_slice %arg11[%dma_wait3A_63, %dma_wait3A_64] : memref<136x128xf32, #tpu.memory_space<vmem_shared>> -> memref<136x128xf32, #tpu.memory_space<vmem_shared>>
        tpu.wait_indirect_dma semaphore(%run_scoped3A : memref<!tpu.dma_semaphore, #tpu.memory_space<semaphore_mem>>) src(%arg18 : memref<128x128xf32, #tpu.memory_space<vmem>>) dst(%dma_wait3A_65 : memref<136x128xf32, #tpu.memory_space<vmem_shared>>)
        tpu.yield
      }) : () -> ()
      "tpu.region"() ({
        %run_scoped3A = tpu.sem_alloc : memref<!tpu.dma_semaphore, #tpu.memory_space<semaphore_mem>>
        %dma_start3A_60 = arith.constant 0 : i32
        %dma_start3A_61 = arith.constant 0 : i32
        %dma_start3A_62 = tpu.memref_slice %arg12[%dma_start3A_60, %dma_start3A_61] : memref<136x128xf32, #tpu.memory_space<vmem_shared>> -> memref<136x128xf32, #tpu.memory_space<vmem_shared>>
        tpu.enqueue_indirect_dma source(%arg19 : memref<128x128xf32, #tpu.memory_space<vmem>>) target(%dma_start3A_62 : memref<136x128xf32, #tpu.memory_space<vmem_shared>>) offsets(%arg17 : memref<128xi32, #tpu.memory_space<vmem>>) semaphore(%run_scoped3A : memref<!tpu.dma_semaphore, #tpu.memory_space<semaphore_mem>>) {add = true}
        %dma_wait3A_63 = arith.constant 0 : i32
        %dma_wait3A_64 = arith.constant 0 : i32
        %dma_wait3A_65 = tpu.memref_slice %arg12[%dma_wait3A_63, %dma_wait3A_64] : memref<136x128xf32, #tpu.memory_space<vmem_shared>> -> memref<136x128xf32, #tpu.memory_space<vmem_shared>>
        tpu.wait_indirect_dma semaphore(%run_scoped3A : memref<!tpu.dma_semaphore, #tpu.memory_space<semaphore_mem>>) src(%arg19 : memref<128x128xf32, #tpu.memory_space<vmem>>) dst(%dma_wait3A_65 : memref<136x128xf32, #tpu.memory_space<vmem_shared>>)
        tpu.yield
      }) : () -> ()
    }
    %scan3A_40 = arith.constant 5 : i32
    %barrier3A_41 = arith.constant 0 : index
    tpu.barrier barrier_id(%barrier3A_41)
    %mul3A_42 = arith.constant 8 : i32
    %mul3A_43 = arith.muli %arg1, %mul3A_42 : i32
    "tpu.region"() ({
      %run_scoped3A = tpu.sem_alloc : memref<!tpu.dma_semaphore, #tpu.memory_space<semaphore_mem>>
      %dma_start3A_52 = arith.constant 0 : i32
      %dma_start3A_53 = tpu.memref_slice %arg11[%mul3A_43, %dma_start3A_52] : memref<136x128xf32, #tpu.memory_space<vmem_shared>> -> memref<8x128xf32, #tpu.memory_space<vmem_shared>>
      %dma_start3A_54 = arith.constant 0 : i32
      %dma_start3A_55 = tpu.memref_slice %arg11[%mul3A_43, %dma_start3A_54] : memref<136x128xf32, #tpu.memory_space<vmem_shared>> -> memref<8x128xf32, #tpu.memory_space<vmem_shared>>
      tpu.enqueue_dma source(%dma_start3A_55 : memref<8x128xf32, #tpu.memory_space<vmem_shared>>) target(%arg21 : memref<8x128xf32, #tpu.memory_space<vmem>>) target_semaphore(%run_scoped3A : memref<!tpu.dma_semaphore, #tpu.memory_space<semaphore_mem>>)
      %dma_wait3A_56 = arith.constant 0 : i32
      %dma_wait3A_57 = tpu.memref_slice %arg11[%mul3A_43, %dma_wait3A_56] : memref<136x128xf32, #tpu.memory_space<vmem_shared>> -> memref<8x128xf32, #tpu.memory_space<vmem_shared>>
      %dma_wait3A_58 = arith.constant 0 : i32
      %dma_wait3A_59 = tpu.memref_slice %arg11[%mul3A_43, %dma_wait3A_58] : memref<136x128xf32, #tpu.memory_space<vmem_shared>> -> memref<8x128xf32, #tpu.memory_space<vmem_shared>>
      tpu.wait_dma2 semaphore(%run_scoped3A : memref<!tpu.dma_semaphore, #tpu.memory_space<semaphore_mem>>) src(%dma_wait3A_59 : memref<8x128xf32, #tpu.memory_space<vmem_shared>>) dst(%arg21 : memref<8x128xf32, #tpu.memory_space<vmem>>)
      tpu.yield
    }) : () -> ()
    %mul3A_44 = arith.constant 128 : i32
    %mul3A_45 = arith.muli %arg0, %mul3A_44 : i32
    %add3A_46 = arith.addi %mul3A_45, %mul3A_43 : i32
    "tpu.region"() ({
      %run_scoped3A = tpu.sem_alloc : memref<!tpu.dma_semaphore, #tpu.memory_space<semaphore_mem>>
      %dma_start3A_52 = arith.constant 0 : i32
      %dma_start3A_53 = tpu.memref_slice %arg8[%add3A_46, %dma_start3A_52] : memref<256x128xf32, #tpu.memory_space<hbm>> -> memref<8x128xf32, #tpu.memory_space<hbm>>
      %dma_start3A_54 = arith.constant 0 : i32
      %dma_start3A_55 = tpu.memref_slice %arg8[%add3A_46, %dma_start3A_54] : memref<256x128xf32, #tpu.memory_space<hbm>> -> memref<8x128xf32, #tpu.memory_space<hbm>>
      tpu.enqueue_dma source(%arg21 : memref<8x128xf32, #tpu.memory_space<vmem>>) target(%dma_start3A_55 : memref<8x128xf32, #tpu.memory_space<hbm>>) target_semaphore(%run_scoped3A : memref<!tpu.dma_semaphore, #tpu.memory_space<semaphore_mem>>)
      %dma_wait3A_56 = arith.constant 0 : i32
      %dma_wait3A_57 = tpu.memref_slice %arg8[%add3A_46, %dma_wait3A_56] : memref<256x128xf32, #tpu.memory_space<hbm>> -> memref<8x128xf32, #tpu.memory_space<hbm>>
      %dma_wait3A_58 = arith.constant 0 : i32
      %dma_wait3A_59 = tpu.memref_slice %arg8[%add3A_46, %dma_wait3A_58] : memref<256x128xf32, #tpu.memory_space<hbm>> -> memref<8x128xf32, #tpu.memory_space<hbm>>
      tpu.wait_dma2 semaphore(%run_scoped3A : memref<!tpu.dma_semaphore, #tpu.memory_space<semaphore_mem>>) src(%arg21 : memref<8x128xf32, #tpu.memory_space<vmem>>) dst(%dma_wait3A_59 : memref<8x128xf32, #tpu.memory_space<hbm>>)
      tpu.yield
    }) : () -> ()
    %eq3A_47 = arith.constant 0 : i32
    %eq3A_48 = arith.cmpi eq, %arg0, %eq3A_47 : i32
    %convert_element_type3A_49 = arith.extui %eq3A_48 : i1 to i32
    %cond3A_50 = arith.constant 0 : i32
    %cond3A_51 = arith.cmpi ne, %convert_element_type3A_49, %cond3A_50 : i32
    scf.if %cond3A_51 {
      "tpu.region"() ({
        %run_scoped3A = tpu.sem_alloc : memref<!tpu.dma_semaphore, #tpu.memory_space<semaphore_mem>>
        %dma_start3A_52 = arith.constant 0 : i32
        %dma_start3A_53 = tpu.memref_slice %arg12[%mul3A_43, %dma_start3A_52] : memref<136x128xf32, #tpu.memory_space<vmem_shared>> -> memref<8x128xf32, #tpu.memory_space<vmem_shared>>
        %dma_start3A_54 = arith.constant 0 : i32
        %dma_start3A_55 = tpu.memref_slice %arg12[%mul3A_43, %dma_start3A_54] : memref<136x128xf32, #tpu.memory_space<vmem_shared>> -> memref<8x128xf32, #tpu.memory_space<vmem_shared>>
        tpu.enqueue_dma source(%dma_start3A_55 : memref<8x128xf32, #tpu.memory_space<vmem_shared>>) target(%arg21 : memref<8x128xf32, #tpu.memory_space<vmem>>) target_semaphore(%run_scoped3A : memref<!tpu.dma_semaphore, #tpu.memory_space<semaphore_mem>>)
        %dma_wait3A_56 = arith.constant 0 : i32
        %dma_wait3A_57 = tpu.memref_slice %arg12[%mul3A_43, %dma_wait3A_56] : memref<136x128xf32, #tpu.memory_space<vmem_shared>> -> memref<8x128xf32, #tpu.memory_space<vmem_shared>>
        %dma_wait3A_58 = arith.constant 0 : i32
        %dma_wait3A_59 = tpu.memref_slice %arg12[%mul3A_43, %dma_wait3A_58] : memref<136x128xf32, #tpu.memory_space<vmem_shared>> -> memref<8x128xf32, #tpu.memory_space<vmem_shared>>
        tpu.wait_dma2 semaphore(%run_scoped3A : memref<!tpu.dma_semaphore, #tpu.memory_space<semaphore_mem>>) src(%dma_wait3A_59 : memref<8x128xf32, #tpu.memory_space<vmem_shared>>) dst(%arg21 : memref<8x128xf32, #tpu.memory_space<vmem>>)
        tpu.yield
      }) : () -> ()
      "tpu.region"() ({
        %run_scoped3A = tpu.sem_alloc : memref<!tpu.dma_semaphore, #tpu.memory_space<semaphore_mem>>
        %dma_start3A_52 = arith.constant 0 : i32
        %dma_start3A_53 = tpu.memref_slice %arg9[%mul3A_43, %dma_start3A_52] : memref<128x128xf32, #tpu.memory_space<hbm>> -> memref<8x128xf32, #tpu.memory_space<hbm>>
        %dma_start3A_54 = arith.constant 0 : i32
        %dma_start3A_55 = tpu.memref_slice %arg9[%mul3A_43, %dma_start3A_54] : memref<128x128xf32, #tpu.memory_space<hbm>> -> memref<8x128xf32, #tpu.memory_space<hbm>>
        tpu.enqueue_dma source(%arg21 : memref<8x128xf32, #tpu.memory_space<vmem>>) target(%dma_start3A_55 : memref<8x128xf32, #tpu.memory_space<hbm>>) target_semaphore(%run_scoped3A : memref<!tpu.dma_semaphore, #tpu.memory_space<semaphore_mem>>)
        %dma_wait3A_56 = arith.constant 0 : i32
        %dma_wait3A_57 = tpu.memref_slice %arg9[%mul3A_43, %dma_wait3A_56] : memref<128x128xf32, #tpu.memory_space<hbm>> -> memref<8x128xf32, #tpu.memory_space<hbm>>
        %dma_wait3A_58 = arith.constant 0 : i32
        %dma_wait3A_59 = tpu.memref_slice %arg9[%mul3A_43, %dma_wait3A_58] : memref<128x128xf32, #tpu.memory_space<hbm>> -> memref<8x128xf32, #tpu.memory_space<hbm>>
        tpu.wait_dma2 semaphore(%run_scoped3A : memref<!tpu.dma_semaphore, #tpu.memory_space<semaphore_mem>>) src(%arg21 : memref<8x128xf32, #tpu.memory_space<vmem>>) dst(%dma_wait3A_59 : memref<8x128xf32, #tpu.memory_space<hbm>>)
        tpu.yield
      }) : () -> ()
    } else {
    }
    return
  }
}

module attributes {stable_mosaic.version = 14 : i64} {
  func.func @_mm_body(%arg0: memref<10240x128xf32, #tpu.memory_space<vmem>>, %arg1: memref<128x128xf32, #tpu.memory_space<vmem>>, %arg2: memref<10240x128xf32, #tpu.memory_space<vmem>>) attributes {dimension_semantics = [], scalar_prefetch = 0 : i64, scratch_operands = 0 : i64, tpu.core_type = #tpu.core_type<tc>} {
    %get3A = arith.constant 0 : index
    %get3A_0 = arith.constant 0 : index
    %get3A_1 = vector.load %arg0[%get3A, %get3A_0] : memref<10240x128xf32, #tpu.memory_space<vmem>>, vector<10240x128xf32>
    %get3A_2 = arith.constant 0 : index
    %get3A_3 = arith.constant 0 : index
    %get3A_4 = vector.load %arg1[%get3A_2, %get3A_3] : memref<128x128xf32, #tpu.memory_space<vmem>>, vector<128x128xf32>
    %dot_general3A = arith.constant dense<0.000000e+00> : vector<10240x128xf32>
    %dot_general3A_5 = tpu.matmul %get3A_1, %get3A_4, %dot_general3A {dimension_numbers = #tpu.dot_dimension_numbers<[1], [0], [0], [1], [0, 0, 1, 1], [], []>, transpose_lhs_hint = false} : vector<10240x128xf32>, vector<128x128xf32>, vector<10240x128xf32> -> vector<10240x128xf32>
    %swap3A = arith.constant 0 : index
    %swap3A_6 = arith.constant 0 : index
    %swap3A_7 = vector.load %arg2[%swap3A, %swap3A_6] : memref<10240x128xf32, #tpu.memory_space<vmem>>, vector<10240x128xf32>
    tpu.vector_store %arg2[%swap3A, %swap3A_6], %dot_general3A_5 {strides = array<i32>} : memref<10240x128xf32, #tpu.memory_space<vmem>>, vector<10240x128xf32>,
    return
  }
}

module attributes {stable_mosaic.version = 14 : i64} {
  func.func @_add_body(%arg0: memref<20480x128xf32, #tpu.memory_space<vmem>>, %arg1: memref<10240x128xf32, #tpu.memory_space<vmem>>) attributes {dimension_semantics = [], scalar_prefetch = 0 : i64, scratch_operands = 0 : i64, tpu.core_type = #tpu.core_type<tc>} {
    %get3A = arith.constant 0 : index
    %get3A_0 = arith.constant 0 : index
    %get3A_1 = vector.load %arg0[%get3A, %get3A_0] : memref<20480x128xf32, #tpu.memory_space<vmem>>, vector<10240x128xf32>
    %get3A_2 = arith.constant 10240 : index
    %get3A_3 = arith.constant 0 : index
    %get3A_4 = vector.load %arg0[%get3A_2, %get3A_3] : memref<20480x128xf32, #tpu.memory_space<vmem>>, vector<10240x128xf32>
    %add3A = arith.addf %get3A_1, %get3A_4 : vector<10240x128xf32>
    %swap3A = arith.constant 0 : index
    %swap3A_5 = arith.constant 0 : index
    %swap3A_6 = vector.load %arg1[%swap3A, %swap3A_5] : memref<10240x128xf32, #tpu.memory_space<vmem>>, vector<10240x128xf32>
    tpu.vector_store %arg1[%swap3A, %swap3A_5], %add3A {strides = array<i32>} : memref<10240x128xf32, #tpu.memory_space<vmem>>, vector<10240x128xf32>,
    return
  }
}

module attributes {stable_mosaic.version = 14 : i64} {
  func.func @_fin_body(%arg0: memref<256x128xf32, #tpu.memory_space<vmem>>, %arg1: memref<128x128xf32, #tpu.memory_space<vmem>>, %arg2: memref<1x16xf32, #tpu.memory_space<vmem>>, %arg3: memref<128x16xf32, #tpu.memory_space<vmem>>) attributes {dimension_semantics = [], scalar_prefetch = 0 : i64, scratch_operands = 0 : i64, tpu.core_type = #tpu.core_type<tc>} {
    %get3A = arith.constant 0 : index
    %get3A_0 = arith.constant 0 : index
    %get3A_1 = vector.load %arg0[%get3A, %get3A_0] : memref<256x128xf32, #tpu.memory_space<vmem>>, vector<128x16xf32>
    %get3A_2 = arith.constant 128 : index
    %get3A_3 = arith.constant 0 : index
    %get3A_4 = vector.load %arg0[%get3A_2, %get3A_3] : memref<256x128xf32, #tpu.memory_space<vmem>>, vector<128x16xf32>
    %add3A = arith.addf %get3A_1, %get3A_4 : vector<128x16xf32>
    %get3A_5 = arith.constant 0 : index
    %get3A_6 = arith.constant 0 : index
    %get3A_7 = vector.load %arg1[%get3A_5, %get3A_6] : memref<128x128xf32, #tpu.memory_space<vmem>>, vector<128x16xf32>
    %max3A = arith.constant 1.000000e+00 : f32
    %max3A_8 = vector.broadcast %max3A : f32 to vector<128x16xf32>
    %max3A_9 = arith.maximumf %get3A_7, %max3A_8 : vector<128x16xf32>
    %div3A = arith.divf %add3A, %max3A_9 : vector<128x16xf32>
    %get3A_10 = arith.constant 0 : index
    %get3A_11 = arith.constant 0 : index
    %get3A_12 = vector.load %arg2[%get3A_10, %get3A_11] : memref<1x16xf32, #tpu.memory_space<vmem>>, vector<1x16xf32>
    %add3A_13 = vector.broadcast %get3A_12 : vector<1x16xf32> to vector<128x16xf32>
    %add3A_14 = arith.addf %div3A, %add3A_13 : vector<128x16xf32>
    %swap3A = arith.constant 0 : index
    %swap3A_15 = arith.constant 0 : index
    %swap3A_16 = vector.load %arg3[%swap3A, %swap3A_15] : memref<128x16xf32, #tpu.memory_space<vmem>>, vector<128x16xf32>
    tpu.vector_store %arg3[%swap3A, %swap3A_15], %add3A_14 {strides = array<i32>} : memref<128x16xf32, #tpu.memory_space<vmem>>, vector<128x16xf32>,
    return
  }
}

</mosaic_0001>

<sc_bundles>
// kernel: kernel.10.cloned.1.call-start
scs
__scs_entry_jumppad:
0x0: {  	(pc) =	sbr.rel $0x88, $3  }
0x1: {  	(tag) =	ssettag $0x0;
	lr =	simm.s32 $0x1  }
0x2: {  	[smem:$0x3F9C] =	sst lr;
	_ =	strace $0xD0000000  }
0x3: {  	_ = 	snop  }
0x4: {  	_ = 	snop  }
0x5: {  	_ = 	snop  }
0x6: {  	_ = 	snop  }
0x7: {  	_ = 	snop  }
__scs_overlays_trampoline_lowered:
0x8: {  	[smem:$0x3FAB] =	sst s0  }
0x9: {  	[smem:$0x3FAC] =	sst s1  }
0xa: {  	[smem:$0x3FAD] =	sst s2  }
0xb: {  	[smem:$0x3FAE] =	sst s3  }
0xc: {  	[smem:$0x3FAF] =	sst s4  }
0xd: {  	[smem:$0x3FB0] =	sst s5  }
0xe: {  	[smem:$0x3FB1] =	sst s6  }
0xf: {  	[smem:$0x3FB2] =	sst s7  }
0x10: {  	[smem:$0x3FB3] =	sst s8  }
0x11: {  	[smem:$0x3FB4] =	sst s9;
	s0 =	simm.s32 @!p0 $0x0  }
0x12: {  	s1 =	sld [smem:$0x3F9A];
	s0 =	simm.s32 @p0 $0x1  }
0x13: {  	[smem:$0x3FB5] =	sst s0;
	s0 =	simm.s32 @!p1 $0x0  }
0x14: {  	s2 =	sld [smem:$0x3F99];
	s0 =	simm.s32 @p1 $0x1  }
0x15: {  	[smem:$0x3FB6] =	sst s0;
	s0 =	simm.s32 @!p2 $0x0  }
0x16: {  	s3 =	sld [smem:$0x3FDB];
	s0 =	simm.s32 @p2 $0x1  }
0x17: {  	s4 =	simm.s32 $0x1BF5;
	[smem:$0x3FB8] =	sst s0  }
0x18: {  	s0 =	sld [smem:$0x3F9B];
	_ =	swait.ge [sflag:s4], $0x0  }
0x19: {  	s7 =	sld [smem:$0x3F9C]  }
0x1a: {  	s8 =	sadd.s32 $0xFFFFE003, lr  }
0x1b: {  	s9 =	sadd.s32 $0xFFFFFEF7, lr;
	s5 =	simm.s32 $0xFFFFFFFF;
	p2 =	slt.u32 s8, $0xFFFFF086  }
0x1c: {  	p1 =	slt.u32 s9, $0xF7A;
	s5 =	simm.s32 @!p2 $0x0  }
0x1d: {  	s5 =	simm.s32 @p1 $0x1;
	p0 =	seq.s32 s7, s2  }
0x1e: {  	s7 =	smul.u32 @!p0 $0xF7A, s2;
	p2 =	seq.s32 @!p0 s5, $0x0  }
0x1f: {  	s9 =	smul.u32 $0xF7A, s1;
	s8 =	simm.s32 @!p0 $0x1BF5;
	p2 =	por !p2, p0  }
0x20: {  	[sflag:s8] =	ssyncset.s32 @!p0 $0xFFFFF086;
	s6 =	sadd.s32 @!p0 s3, s7;
	s7 =	simm.s32 @!p0 $0x108  }
0x21: {  	s3 =	sadd.s32 s3, s9;
	s6 =	sadd.s32 @!p0 $0x88, s6;
	s7 =	simm.s32 @p2 $0x1082  }
0x22: {  	[simem:s7], [sflag:s8] =	dma.local @!p0 [hbm:s6], $0xF7A  }
0x23: {  	s9 =	sor.u32 $0xD0000000, s2;
	s6 =	simm.s32 $0x108;
	_ =	swait.ge @!p0 [sflag:s8], $0x0  }
0x24: {  	s3 =	sadd.s32 $0x88, s3;
	s6 =	simm.s32 @!p1 $0x1082;
	[sflag:s4] =	ssyncset.s32 $0xFFFFF086  }
0x25: {  	[simem:s6], [sflag:s4] =	dma.local [hbm:s3], $0xF7A  }
0x26: {  	[smem:$0x3F9C] =	sst s1;
	(tag) =	ssettag s2;
	_ =	strace s9  }
0x27: {  	s1 =	sld [smem:$0x3FAC]  }
0x28: {  	s2 =	sld [smem:$0x3FAD]  }
0x29: {  	s4 =	sld [smem:$0x3FAF]  }
0x2a: {  	p0 =	seq.s32 s5, $0x0;
	s5 =	sld [smem:$0x3FB0]  }
0x2b: {  	s6 =	sld [smem:$0x3FB1]  }
0x2c: {  	s7 =	sld [smem:$0x3FB2]  }
0x2d: {  	s3 =	simm.s32 $0x108;
	s8 =	sld [smem:$0x3FB3]  }
0x2e: {  	s3 =	simm.s32 @!p0 $0x1082;
	s9 =	sld [smem:$0x3FB4]  }
0x2f: {  	lr =	sadd.s32 s0, s3;
	s0 =	sld [smem:$0x3FAB]  }
0x30: {  	s3 =	sld [smem:$0x3FAE]  }
0x31: {  	[smem:$0x3FB7] =	sst s10  }
0x32: {  	s10 =	sld [smem:$0x3FB5];
	_ =	sdelay $0x3  }
0x33: {  	p0 =	seq.s32 s10, $0x1;
	s10 =	sld [smem:$0x3FB7];
	_ =	sdelay $0x3  }
0x34: {  	[smem:$0x3FB7] =	sst s10  }
0x35: {  	s10 =	sld [smem:$0x3FB6];
	_ =	sdelay $0x3  }
0x36: {  	p1 =	seq.s32 s10, $0x1;
	s10 =	sld [smem:$0x3FB7];
	_ =	sdelay $0x3  }
0x37: {  	[smem:$0x3FB7] =	sst s10  }
0x38: {  	s10 =	sld [smem:$0x3FB8]  }
0x39: {  	_ = 	snop;
	(pc) =	sbr.ind lr, $3  }
0x3a: {  	_ = 	snop  }
0x3b: {  	_ = 	snop  }
0x3c: {  	p2 =	seq.s32 s10, $0x1;
	s10 =	sld [smem:$0x3FB7]  }
0x3d: {  	_ =	shalt  }
0x3e: {  	_ =	shalt  }
0x3f: {  	_ =	shalt  }
0x40: {  	_ =	shalt  }
0x41: {  	_ =	shalt  }
0x42: {  	_ =	shalt  }
0x43: {  	_ =	shalt  }
0x44: {  	_ =	shalt  }
0x45: {  	_ =	shalt  }
0x46: {  	_ =	shalt  }
0x47: {  	_ =	shalt  }
0x48: {  	_ =	shalt  }
0x49: {  	_ =	shalt  }
0x4a: {  	_ =	shalt  }
0x4b: {  	_ =	shalt  }
0x4c: {  	_ =	shalt  }
0x4d: {  	_ =	shalt  }
0x4e: {  	_ =	shalt  }
0x4f: {  	_ =	shalt  }
0x50: {  	_ =	shalt  }
0x51: {  	_ =	shalt  }
0x52: {  	_ =	shalt  }
0x53: {  	_ =	shalt  }
0x54: {  	_ =	shalt  }
0x55: {  	_ =	shalt  }
0x56: {  	_ =	shalt  }
0x57: {  	_ =	shalt  }
0x58: {  	_ =	shalt  }
0x59: {  	_ =	shalt  }
0x5a: {  	_ =	shalt  }
0x5b: {  	_ =	shalt  }
0x5c: {  	_ =	shalt  }
0x5d: {  	_ =	shalt  }
0x5e: {  	_ =	shalt  }
0x5f: {  	_ =	shalt  }
0x60: {  	_ =	shalt  }
0x61: {  	_ =	shalt  }
0x62: {  	_ =	shalt  }
0x63: {  	_ =	shalt  }
0x64: {  	_ =	shalt  }
0x65: {  	_ =	shalt  }
0x66: {  	_ =	shalt  }
0x67: {  	_ =	shalt  }
0x68: {  	_ =	shalt  }
0x69: {  	_ =	shalt  }
0x6a: {  	_ =	shalt  }
0x6b: {  	_ =	shalt  }
0x6c: {  	_ =	shalt  }
0x6d: {  	_ =	shalt  }
0x6e: {  	_ =	shalt  }
0x6f: {  	_ =	shalt  }
0x70: {  	_ =	shalt  }
0x71: {  	_ =	shalt  }
0x72: {  	_ =	shalt  }
0x73: {  	_ =	shalt  }
0x74: {  	_ =	shalt  }
0x75: {  	_ =	shalt  }
0x76: {  	_ =	shalt  }
0x77: {  	_ =	shalt  }
0x78: {  	_ =	shalt  }
0x79: {  	_ =	shalt  }
0x7a: {  	_ =	shalt  }
0x7b: {  	_ =	shalt  }
0x7c: {  	_ =	shalt  }
0x7d: {  	_ =	shalt  }
0x7e: {  	_ =	shalt  }
0x7f: {  	_ =	shalt  }
0x80: {  	_ =	shalt  }
0x81: {  	_ =	shalt  }
0x82: {  	_ =	shalt  }
0x83: {  	_ =	shalt  }
0x84: {  	_ =	shalt  }
0x85: {  	_ =	shalt  }
0x86: {  	_ =	shalt  }
0x87: {  	_ =	shalt  }
.Lfunc_end0:
.L_simem_size_0:
called_computation.1_lowered:
.L_overlay_start_0:
0x88: {  	s2 =	sld [smem:$0x3FD9]  }
0x89: {  	s3 =	sld [smem:$0x3FFE];
	_ =	sdelay $0x1  }
0x8a: {  	s1 =	srdreg.scid  }
0x8b: {  	s0 =	sand.u32 $0x1, s1  }
0x8c: {  	s16 =	sshll.u32 s0, $0xA;
	s2 =	sadd.s32 s3, s2  }
0x8d: {  	s2 =	sadd.s32 s2, s16  }
0x8e: {  	[smem:$0x3FC3] =	sst s2  }
0x8f: {  	_ = 	snop  }
0x90: {  	(tm) =	ssettm $0x1  }
0x91: {  	s17 =	sld [smem:$0x3FFB];
	_ =	sdelay $0x3  }
0x92: {  	_ =	strace s17  }
0x93: {  	s2 =	sld [smem:$0x3FFC];
	_ =	sdelay $0x3  }
0x94: {  	_ =	strace s2  }
0x95: {  	s2 =	sld [smem:$0x3FFD];
	_ =	sdelay $0x3  }
0x96: {  	_ =	strace s2  }
0x97: {  	_ =	strace $0x8FFFFFFF  }
0x98: {  	s18 =	sld [smem:$0x3FDB];
	_ =	sdelay $0x1  }
0x99: {  	s19 =	simm.s32 $_scs_section_size  }
0x9a: {  	s4 =	simm.s32 $_size__tile_overlayer_lowered;
	s5 =	simm.s32 $_tile_overlayer_lowered  }
0x9b: {  	s22 =	simm.s32 $0x1BFF;
	s21 =	sshll.u32 s5, $0x1;
	s2 =	sadd.s32 s19, s18  }
0x9c: {  	s6 =	simm.s32 $0x0;
	s20 =	sshll.u32 s4, $0x1;
	s4 =	sadd.s32 s21, s2  }
0x9d: {  	[timem:s6], [sflag:s22] =	dma.local [hbm:s4], s20  }
0x9e: {  	_ =	swait.ge [sflag:s22], s20  }
0x9f: {  	s3 =	ssub.s32 $0x0, s20;
	[sflag:s22] =	ssyncset.done $0x0  }
0xa0: {  	[sflag:s22] =	ssyncadd.s32 s3;
	_ =	sdelay $0x1  }
0xa1: {  	s23 =	simm.s32 $0x1B8B  }
0xa2: {  	_ =	swait.ge [sflag:s23], $0x1  }
0xa3: {  	[sflag:s23] =	ssyncset.done $0x0  }
0xa4: {  	s25 =	simm.s32 $0x1B8E;
	s24 =	sld [smem:$0x3FFE];
	[sflag:s23] =	ssyncadd.s32 $0xFFFFFFFF  }
0xa5: {  	s26 =	simm.s32 $execute0_lowered;
	[smem:$0x3FD2] =	sst s25  }
0xa6: {  	s4 =	sshll.u32 s26, $0x1;
	_ =	strace $0x80000049;
	[dreg:$0x1] =	wrdreg $0xFFFFFFFF  }
0xa7: {  	s28 =	simm.s32 $_size_execute0_lowered;
	s2 =	sadd.s32 s2, s4;
	[dreg:$0x0] =	wrdreg $0x0  }
0xa8: {  	s4 =	sshll.u32 s28, $0x1;
	[dreg:$0x2] =	wrdreg s2  }
0xa9: {  	[dreg:$0x3] =	wrdreg s4  }
0xaa: {  	[dreg:$0x4] =	wrdreg $0xC0  }
0xab: {  	_ =	task [dreg:s6], $0x5FFFF  }
0xac: {  	[dreg:$0x1] =	wrdreg $0xFFFFFFFF  }
0xad: {  	[dreg:$0x0] =	wrdreg $0x60  }
0xae: {  	[dreg:$0x2] =	wrdreg s24  }
0xaf: {  	[dreg:$0x3] =	wrdreg $0x0  }
0xb0: {  	[dreg:$0x4] =	wrdreg $0x140000  }
0xb1: {  	[dreg:$0x5] =	wrdreg $0x144400  }
0xb2: {  	[dreg:$0x6] =	wrdreg $0x9  }
0xb3: {  	_ =	task.clear_ibuf [dreg:s6], $0x7FFFF;
	_ =	strace $0x90000049  }
0xb4: {  	s29 =	simm.s32 $0x9;
	_ =	strace $0x8000004B  }
0xb5: {  	_ =	swait.ge [sflag:s29], $0x1  }
0xb6: {  	[sflag:s29] =	ssyncadd.s32 $0xFFFFFFFF  }
0xb7: {  	_ =	strace $0x9000004B  }
0xb8: {  	_ =	sfence  }
0xb9: {  	s30 =	sld [smem:$0x0];
	_ =	sdelay $0x2  }
0xba: {  	s31 =	sshll.u32 s1, $0xD;
	s1 =	sshrl.u32 s1, $0x2  }
0xbb: {  	s3 =	sand.u32 $0x4000, s31;
	s1 =	sadd.s32 s1, s30  }
0xbc: {  	s0 =	sor.u32 s3, s0;
	s1 =	sshll.u32 s1, $0x11  }
0xbd: {  	s0 =	sor.u32 s1, s0  }
0xbe: {  	s0 =	sadd.s32 $0x8F2B, s0  }
0xbf: {  	[sflag:s0] =	ssyncadd.remote.s32 $0x1  }
0xc0: {  	_ =	sfence.sel $0xFFFF  }
0xc1: {  	[dreg:$0x0] =	wrdreg $0xFFFFFFFF;
	(pc) =	sbr.abs _section_cstart, $3  }
0xc2: {  	[dreg:$0x1] =	wrdreg $0xFFFFFFFF  }
0xc3: {  	_ =	task.clear_ibuf [dreg:s6], $0x2FFFF;
	_ =	strace $0x9FFFFFFF  }
0xc4: {  	(tm) =	ssettm $0x7FFFFFFF  }
0xc5: {  	_ =	shalt  }
tec
execute0_lowered:
.L_overlay_start_1:
0x0: {  	(tag) =	ssettag $0x1  }
0x1: {  	s0 =	rddreg [dreg:$0x0]  }
0x2: {  	s1 =	rddreg [dreg:$0x1]  }
0x3: {  	s3 =	srdreg.scid;
	s18 =	stileid.u32  }
0x4: {  	s2 =	rddreg [dreg:$0x2];
	s4 =	sand.u32 $0x1, s3;
	s5 =	sshll.u32 s18, $0x1  }
0x5: {  	s3 =	rddreg [dreg:$0x3];
	s6 =	sadd.s32 $0x33000, s0;
	s19 =	smul.u32 $0x280, s18  }
0x6: {  	s8 =	sadd.s32 $0x29000, s0;
	s9 =	sadd.s32 $0x8D400, s0;
	s16 =	smul.u32 $0xA00, s18  }
0x7: {  	s5 =	sor.u32 s4, s5;
	s7 =	ssub.s32 $0x2, s4;
	s26 =	smul.u32 $0x500, s4  }
0x8: {  	p0 =	sne.s32 s4, $0x0;
	s5 =	smul.u32 $0x500, s5;
	s10 =	sshrl.u32 s7, $0x1  }
0x9: {  	s22 =	sshrl.u32 s19, $0x3;
	s14 =	sadd.s32 $0x100, s19;
	s7 =	ssub.s32 s7, s10  }
0xa: {  	s24 =	sshrl.u32 s14, $0x3;
	s10 =	sadd.s32 $0x200, s19;
	s12 =	sadd.s32 s8, s5  }
0xb: {  	s11 =	sor.u32 $0x10, s5;
	s20 =	sadd.s32 s6, s5;
	[dreg:$0x5] =	wrdreg s12  }
0xc: {  	s5 =	sor.u32 $0x20, s5;
	[dreg:$0x6] =	wrdreg s20;
	s21 =	sadd.s32 s8, s11  }
0xd: {  	s15 =	sshrl.u32 s10, $0x3;
	s11 =	sadd.s32 s6, s11;
	[dreg:$0x7] =	wrdreg s21  }
0xe: {  	s12 =	sadd.s32 s9, s22;
	s17 =	sadd.s32 s8, s5;
	[dreg:$0x8] =	wrdreg s11  }
0xf: {  	s5 =	sadd.s32 s6, s5;
	s6 =	sadd.s32 s16, s6;
	[dreg:$0x9] =	wrdreg s12  }
0x10: {  	s20 =	sshll.u32 s18, $0xA;
	s11 =	sadd.s32 $0x80, s19;
	[dreg:$0xe] =	wrdreg s17  }
0x11: {  	s12 =	sadd.s32 s9, s24;
	[dreg:$0xf] =	wrdreg s5;
	s21 =	sshll.u32 s4, $0xE  }
0x12: {  	s24 =	sshll.u32 s18, $0x7;
	s13 =	sshrl.u32 s11, $0x3;
	[dreg:$0xb] =	wrdreg s12  }
0x13: {  	s12 =	sadd.s32 $0x180, s19;
	s19 =	sadd.s32 s16, s8;
	s22 =	sor.u32 s20, s21  }
0x14: {  	s8 =	sadd.s32 s24, s0;
	s23 =	sadd.s32 s9, s13;
	s25 =	sshrl.u32 s12, $0x3  }
0x15: {  	s16 =	sadd.s32 s26, s19;
	[dreg:$0xa] =	wrdreg s23;
	s13 =	sadd.s32 s9, s25  }
0x16: {  	s4 =	sshrl.u32 s22, $0x3;
	s9 =	sadd.s32 s9, s15;
	[dreg:$0xc] =	wrdreg s13  }
0x17: {  	s19 =	sadd.s32 $0x1000, s0;
	s15 =	simm.s32 $0x0;
	[dreg:$0xd] =	wrdreg s9  }
0x18: {  	s4 =	sadd.s32 s4, s0;
	s25 =	sadd.s32 $0x3D000, s0;
	[smem:$0x7FF] =	sst s15  }
0x19: {  	s0 =	sadd.s32 $0x3D400, s0;
	_ =	strace $0x8000004A;
	[dreg:$0x10] =	wrdreg s25  }
0x1a: {  	s17 =	sadd.s32 s26, s6;
	s26 =	sadd.s32 $0x3DC00, s4;
	[dreg:$0x11] =	wrdreg s0  }
0x1b: {  	s4 =	sadd.s32 s20, s2;
	[dreg:$0x12] =	wrdreg s26  }
0x1c: {  	s5 =	sadd.s32 s20, s3;
	s23 =	smul.u32 $0x50000, s18;
	[dreg:$0x13] =	wrdreg s4  }
0x1d: {  	s28 =	simm.s32 $0x1;
	s7 =	smax.u32 s7, $0x1;
	[dreg:$0x14] =	wrdreg s5  }
0x1e: {  	s29 =	simm.s32 $0x6;
	s6 =	sshrl.u32 s23, $0x2;
	[dreg:$0x16] =	wrdreg s7  }
0x1f: {  	s22 =	sadd.s32 s6, s1;
	s6 =	sadd.s32 $0x3EC00, s8;
	s8 =	sshll.u32 s11, $0x7  }
0x20: {  	s11 =	sshll.u32 s12, $0x7;
	[dreg:$0x15] =	wrdreg s6;
	s0 =	sadd.s32 s8, s1  }
0x21: {  	p1 =	seq.s32 s18, $0x0;
	s12 =	sadd.s32 s11, s1;
	[dreg:$0x17] =	wrdreg s0  }
0x22: {  	s9 =	sshll.u32 s14, $0x7;
	s14 =	sadd.s32 $0x2000, s22;
	[dreg:$0x19] =	wrdreg s12  }
0x23: {  	p2 =	sne.s32 s18, $0x1;
	s18 =	sadd.s32 $0x4000, s22;
	[dreg:$0x1b] =	wrdreg s14  }
0x24: {  	s30 =	simm.s32 $0x18B00;
	s20 =	sadd.s32 $0x6000, s22;
	[dreg:$0x1c] =	wrdreg s18  }
0x25: {  	s31 =	simm.s32 $0x3;
	s21 =	sadd.s32 $0x8000, s22;
	[dreg:$0x1d] =	wrdreg s20  }
0x26: {  	s13 =	sshll.u32 s10, $0x7;
	s23 =	sadd.s32 $0xA000, s22;
	[dreg:$0x1e] =	wrdreg s21  }
0x27: {  	s4 =	simm.s32 $0x14A80;
	s24 =	sadd.s32 $0xC000, s22;
	[dreg:$0x1f] =	wrdreg s23  }
0x28: {  	s5 =	simm.s32 $0x1EB00;
	s25 =	sadd.s32 $0xE000, s22;
	[smem:$0x7FB] =	sst s24  }
0x29: {  	s26 =	sadd.s32 $0x10000, s22;
	s11 =	sadd.s32 $0x12000, s22;
	[smem:$0x7FC] =	sst s25  }
0x2a: {  	s6 =	simm.s32 $0x0;
	s0 =	sadd.s32 s9, s1;
	[smem:$0x7FD] =	sst s26  }
.Ltmp0:
0x2b: {  	s12 =	simm.s32 $0x1CB00;
	s14 =	simm.s32 $0x14880;
	(pc) =	sbr.rel .LBB2_1-.Ltmp0, $4  }
0x2c: {  	s20 =	simm.s32 $0x14900;
	s21 =	simm.s32 $0x5;
	s23 =	simm.s32 $0x80  }
0x2d: {  	s24 =	simm.s32 $0x14B00;
	s25 =	simm.s32 $0x14980;
	s26 =	simm.s32 $0x14A00  }
0x2e: {  	s18 =	simm.s32 $0x2;
	[dreg:$0x18] =	wrdreg s0;
	s0 =	sadd.s32 s13, s1  }
0x2f: {  	s13 =	simm.s32 $0x7;
	[dreg:$0x1a] =	wrdreg s0;
	s0 =	simm.s32 $0x4  }
.LBB2_8:
0x30: {  	_ =	swait.ge [sflag:s18], $0x4000  }
0x31: {  	[sflag:s18] =	ssyncset.done $0x0  }
0x32: {  	[sflag:s18] =	ssyncadd.s32 $0xFFFFC000  }
0x33: {  	[spmem:s1] =	stream.indirect.scatter.add.f32 [tilespmem:s30], [sflag:$0x4], $0x80, s26, s23, $0xb8;
	[tilespmem:$0x1EF00] =	vst v63  }
0x34: {  	_ =	swait.ge [sflag:s0], $0x4000  }
0x35: {  	[sflag:s0] =	ssyncset.done $0x0  }
0x36: {  	[sflag:s0] =	ssyncadd.s32 $0xFFFFC000  }
0x37: {  	[bflag:$0x0] =	sbarrier.arrive $0xFFFF  }
0x38: {  	s7 =	rddreg [dreg:$0x11]  }
0x39: {  	[tilespmem:s30], [sflag:$0x7] =	stream.linear.gather [hbm4b:s7+s15], $0x4000, $0x38;
	[tilespmem:$0x1EF00] =	vst v63  }
0x3a: {  	_ =	swait.ge [sflag:s13], $0x4000  }
0x3b: {  	[sflag:s13] =	ssyncset.done $0x0  }
0x3c: {  	s8 =	rddreg [dreg:$0x9];
	[sflag:s13] =	ssyncadd.s32 $0xFFFFC000  }
0x3d: {  	[tilespmem:s4], [sflag:$0x7] =	stream.linear.gather [hbm4b:s8+s15], $0x80, $0x38;
	[tilespmem:$0x1EF00] =	vst v63  }
0x3e: {  	_ =	swait.ge [sflag:s13], $0x80  }
0x3f: {  	[sflag:s13] =	ssyncset.done $0x0  }
0x40: {  	[sflag:s13] =	ssyncadd.s32 $0xFFFFFF80  }
0x41: {  	[tilespmem:s24], [sflag:$0x7] =	stream.linear.gather [spmem:s22], $0x4000, $0x38;
	[tilespmem:$0x1EF00] =	vst v63  }
0x42: {  	_ =	swait.ge [sflag:s13], $0x4000  }
0x43: {  	[sflag:s13] =	ssyncset.done $0x0  }
0x44: {  	[sflag:s13] =	ssyncadd.s32 $0xFFFFC000  }
0x45: {  	[spmem:s2] =	stream.indirect.scatter.add.f32 [tilespmem:s24], [sflag:$0x7], $0x80, s4, s23, $0xb8;
	[tilespmem:$0x1EF00] =	vst v63  }
0x46: {  	_ =	swait.ge [sflag:s13], $0x4000  }
0x47: {  	[sflag:s13] =	ssyncset.done $0x0  }
0x48: {  	[sflag:s13] =	ssyncadd.s32 $0xFFFFC000  }
0x49: {  	[spmem:s3] =	stream.indirect.scatter.add.f32 [tilespmem:s30], [sflag:$0x7], $0x80, s4, s23, $0xb8;
	[tilespmem:$0x1EF00] =	vst v63  }
0x4a: {  	_ =	swait.ge [sflag:s13], $0x4000  }
0x4b: {  	[sflag:s13] =	ssyncset.done $0x0  }
0x4c: {  	s9 =	rddreg [dreg:$0xa];
	[sflag:s13] =	ssyncadd.s32 $0xFFFFC000  }
0x4d: {  	[tilespmem:s4], [sflag:$0x7] =	stream.linear.gather [hbm4b:s9+s15], $0x80, $0x38;
	[tilespmem:$0x1EF00] =	vst v63  }
0x4e: {  	_ =	swait.ge [sflag:s13], $0x80  }
0x4f: {  	[sflag:s13] =	ssyncset.done $0x0  }
0x50: {  	s10 =	rddreg [dreg:$0x17];
	[sflag:s13] =	ssyncadd.s32 $0xFFFFFF80  }
0x51: {  	[tilespmem:s24], [sflag:$0x7] =	stream.linear.gather [spmem:s10], $0x4000, $0x38;
	[tilespmem:$0x1EF00] =	vst v63  }
0x52: {  	_ =	swait.ge [sflag:s13], $0x4000  }
0x53: {  	[sflag:s13] =	ssyncset.done $0x0  }
0x54: {  	[sflag:s13] =	ssyncadd.s32 $0xFFFFC000  }
0x55: {  	[spmem:s2] =	stream.indirect.scatter.add.f32 [tilespmem:s24], [sflag:$0x7], $0x80, s4, s23, $0xb8;
	[tilespmem:$0x1EF00] =	vst v63  }
0x56: {  	_ =	swait.ge [sflag:s13], $0x4000  }
0x57: {  	[sflag:s13] =	ssyncset.done $0x0  }
0x58: {  	[sflag:s13] =	ssyncadd.s32 $0xFFFFC000  }
0x59: {  	[spmem:s3] =	stream.indirect.scatter.add.f32 [tilespmem:s30], [sflag:$0x7], $0x80, s4, s23, $0xb8;
	[tilespmem:$0x1EF00] =	vst v63  }
0x5a: {  	_ =	swait.ge [sflag:s13], $0x4000  }
0x5b: {  	[sflag:s13] =	ssyncset.done $0x0  }
0x5c: {  	s8 =	rddreg [dreg:$0xb];
	[sflag:s13] =	ssyncadd.s32 $0xFFFFC000  }
0x5d: {  	[tilespmem:s4], [sflag:$0x7] =	stream.linear.gather [hbm4b:s8+s15], $0x80, $0x38;
	[tilespmem:$0x1EF00] =	vst v63  }
0x5e: {  	_ =	swait.ge [sflag:s13], $0x80  }
0x5f: {  	[sflag:s13] =	ssyncset.done $0x0  }
0x60: {  	s9 =	rddreg [dreg:$0x18];
	[sflag:s13] =	ssyncadd.s32 $0xFFFFFF80  }
0x61: {  	[tilespmem:s24], [sflag:$0x7] =	stream.linear.gather [spmem:s9], $0x4000, $0x38;
	[tilespmem:$0x1EF00] =	vst v63  }
0x62: {  	_ =	swait.ge [sflag:s13], $0x4000  }
0x63: {  	[sflag:s13] =	ssyncset.done $0x0  }
0x64: {  	[sflag:s13] =	ssyncadd.s32 $0xFFFFC000  }
0x65: {  	[spmem:s2] =	stream.indirect.scatter.add.f32 [tilespmem:s24], [sflag:$0x7], $0x80, s4, s23, $0xb8;
	[tilespmem:$0x1EF00] =	vst v63  }
0x66: {  	_ =	swait.ge [sflag:s13], $0x4000  }
0x67: {  	[sflag:s13] =	ssyncset.done $0x0  }
0x68: {  	[sflag:s13] =	ssyncadd.s32 $0xFFFFC000  }
0x69: {  	[spmem:s3] =	stream.indirect.scatter.add.f32 [tilespmem:s30], [sflag:$0x7], $0x80, s4, s23, $0xb8;
	[tilespmem:$0x1EF00] =	vst v63  }
0x6a: {  	_ =	swait.ge [sflag:s13], $0x4000  }
0x6b: {  	[sflag:s13] =	ssyncset.done $0x0  }
0x6c: {  	s10 =	rddreg [dreg:$0xc];
	[sflag:s13] =	ssyncadd.s32 $0xFFFFC000  }
0x6d: {  	[tilespmem:s4], [sflag:$0x7] =	stream.linear.gather [hbm4b:s10+s15], $0x80, $0x38;
	[tilespmem:$0x1EF00] =	vst v63  }
0x6e: {  	_ =	swait.ge [sflag:s13], $0x80  }
0x6f: {  	[sflag:s13] =	ssyncset.done $0x0  }
0x70: {  	s8 =	rddreg [dreg:$0x19];
	[sflag:s13] =	ssyncadd.s32 $0xFFFFFF80  }
0x71: {  	[tilespmem:s24], [sflag:$0x7] =	stream.linear.gather [spmem:s8], $0x4000, $0x38;
	[tilespmem:$0x1EF00] =	vst v63  }
0x72: {  	_ =	swait.ge [sflag:s13], $0x4000  }
0x73: {  	[sflag:s13] =	ssyncset.done $0x0  }
0x74: {  	[sflag:s13] =	ssyncadd.s32 $0xFFFFC000  }
0x75: {  	[spmem:s2] =	stream.indirect.scatter.add.f32 [tilespmem:s24], [sflag:$0x7], $0x80, s4, s23, $0xb8;
	[tilespmem:$0x1EF00] =	vst v63  }
0x76: {  	_ =	swait.ge [sflag:s13], $0x4000  }
0x77: {  	[sflag:s13] =	ssyncset.done $0x0  }
0x78: {  	[sflag:s13] =	ssyncadd.s32 $0xFFFFC000  }
0x79: {  	[spmem:s3] =	stream.indirect.scatter.add.f32 [tilespmem:s30], [sflag:$0x7], $0x80, s4, s23, $0xb8;
	[tilespmem:$0x1EF00] =	vst v63  }
0x7a: {  	_ =	swait.ge [sflag:s13], $0x4000  }
0x7b: {  	[sflag:s13] =	ssyncset.done $0x0  }
0x7c: {  	s9 =	rddreg [dreg:$0xd];
	[sflag:s13] =	ssyncadd.s32 $0xFFFFC000  }
0x7d: {  	[tilespmem:s4], [sflag:$0x7] =	stream.linear.gather [hbm4b:s9+s15], $0x80, $0x38;
	[tilespmem:$0x1EF00] =	vst v63  }
0x7e: {  	_ =	swait.ge [sflag:s13], $0x80  }
0x7f: {  	[sflag:s13] =	ssyncset.done $0x0  }
0x80: {  	s10 =	rddreg [dreg:$0x1a];
	[sflag:s13] =	ssyncadd.s32 $0xFFFFFF80  }
0x81: {  	[tilespmem:s24], [sflag:$0x7] =	stream.linear.gather [spmem:s10], $0x4000, $0x38;
	[tilespmem:$0x1EF00] =	vst v63  }
0x82: {  	_ =	swait.ge [sflag:s13], $0x4000  }
0x83: {  	[sflag:s13] =	ssyncset.done $0x0  }
0x84: {  	[sflag:s13] =	ssyncadd.s32 $0xFFFFC000  }
0x85: {  	[spmem:s2] =	stream.indirect.scatter.add.f32 [tilespmem:s24], [sflag:$0x7], $0x80, s4, s23, $0xb8;
	[tilespmem:$0x1EF00] =	vst v63  }
0x86: {  	_ =	swait.ge [sflag:s13], $0x4000  }
0x87: {  	[sflag:s13] =	ssyncset.done $0x0  }
0x88: {  	[sflag:s13] =	ssyncadd.s32 $0xFFFFC000  }
0x89: {  	[spmem:s3] =	stream.indirect.scatter.add.f32 [tilespmem:s30], [sflag:$0x7], $0x80, s4, s23, $0xb8;
	[tilespmem:$0x1EF00] =	vst v63  }
0x8a: {  	_ =	swait.ge [sflag:s13], $0x4000  }
0x8b: {  	[sflag:s13] =	ssyncset.done $0x0  }
0x8c: {  	[sflag:s13] =	ssyncadd.s32 $0xFFFFC000  }
0x8d: {  	[bflag:$0x0] =	sbarrier.arrive $0xFFFF  }
0x8e: {  	s8 =	rddreg [dreg:$0x13]  }
0x8f: {  	[tilespmem:s5], [sflag:$0x7] =	stream.linear.gather [spmem:s8], $0x400, $0x38;
	[tilespmem:$0x1EF00] =	vst v63  }
0x90: {  	_ =	swait.ge [sflag:s13], $0x400  }
0x91: {  	[sflag:s13] =	ssyncset.done $0x0  }
0x92: {  	s9 =	rddreg [dreg:$0x12];
	[sflag:s13] =	ssyncadd.s32 $0xFFFFFC00  }
0x93: {  	[hbm4b:s9+s15] =	stream.linear.scatter [tilespmem:s5], [sflag:$0x7], $0x400, $0x38;
	[tilespmem:$0x1EF00] =	vst v63  }
0x94: {  	_ =	swait.ge [sflag:s13], $0x400  }
0x95: {  	[sflag:s13] =	ssyncset.done $0x0  }
0x96: {  	s7 =	simm.s32 @!p0 $0x1EB00;
	s8 =	rddreg [dreg:$0x14];
	[sflag:s13] =	ssyncadd.s32 $0xFFFFFC00  }
0x97: {  	[tilespmem:s7], [sflag:$0x7] =	stream.linear.gather @!p0 [spmem:s8], $0x400, $0x38;
	[tilespmem:$0x1EF00] =	vst v63  }
0x98: {  	s8 =	simm.s32 @!p0 $0x7  }
0x99: {  	_ =	swait.ge @!p0 [sflag:s8], $0x400  }
0x9a: {  	[sflag:s8] =	ssyncset.done @!p0 $0x0  }
0x9b: {  	s9 =	simm.s32 @!p0 $0x0;
	s10 =	rddreg [dreg:$0x15];
	[sflag:s8] =	ssyncadd.s32 @!p0 $0xFFFFFC00  }
0x9c: {  	[hbm4b:s10+s9] =	stream.linear.scatter @!p0 [tilespmem:s7], [sflag:$0x7], $0x400, $0x38;
	[tilespmem:$0x1EF00] =	vst v63  }
0x9d: {  	_ =	swait.ge @!p0 [sflag:s8], $0x400  }
0x9e: {  	s6 =	sadd.s32 $0x1, s6;
	s10 =	rddreg [dreg:$0x16]  }
0x9f: {  	p3 =	sne.s32 s6, s10  }
.Ltmp1:
0xa0: {  	_ = 	snop;
	(pc) =	sbr.rel @!p3 .LBB2_9-.Ltmp1, $3  }
0xa1: {  	_ =	sdelay $0x1  }
0xa2: {  	[sflag:s8] =	ssyncset.done @!p0 $0x0  }
0xa3: {  	[sflag:s8] =	ssyncadd.s32 @!p0 $0xFFFFFC00  }
.LBB2_1:
0xa4: {  	s7 =	rddreg [dreg:$0x10]  }
0xa5: {  	[tilespmem:s12], [sflag:$0x7] =	stream.linear.gather [hbm4b:s7+s15], $0x2000, $0x38;
	[tilespmem:$0x1EF00] =	vst v63  }
0xa6: {  	_ =	swait.ge [sflag:s13], $0x2000  }
0xa7: {  	[sflag:s13] =	ssyncset.done $0x0  }
0xa8: {  	[sflag:s13] =	ssyncadd.s32 $0xFFFFE000  }
0xa9: {  	[spmem:s22] =	stream.linear.scatter [tilespmem:s12], [sflag:$0x7], $0x2000, $0x38;
	[tilespmem:$0x1EF00] =	vst v63  }
0xaa: {  	_ =	swait.ge [sflag:s13], $0x2000  }
0xab: {  	[sflag:s13] =	ssyncset.done $0x0  }
0xac: {  	s9 =	rddreg [dreg:$0x1b];
	[sflag:s13] =	ssyncadd.s32 $0xFFFFE000  }
0xad: {  	[spmem:s9] =	stream.linear.scatter [tilespmem:s12], [sflag:$0x7], $0x2000, $0x38;
	[tilespmem:$0x1EF00] =	vst v63  }
0xae: {  	_ =	swait.ge [sflag:s13], $0x2000  }
0xaf: {  	[sflag:s13] =	ssyncset.done $0x0  }
0xb0: {  	s10 =	rddreg [dreg:$0x1c];
	[sflag:s13] =	ssyncadd.s32 $0xFFFFE000  }
0xb1: {  	[spmem:s10] =	stream.linear.scatter [tilespmem:s12], [sflag:$0x7], $0x2000, $0x38;
	[tilespmem:$0x1EF00] =	vst v63  }
0xb2: {  	_ =	swait.ge [sflag:s13], $0x2000  }
0xb3: {  	[sflag:s13] =	ssyncset.done $0x0  }
0xb4: {  	s8 =	rddreg [dreg:$0x1d];
	[sflag:s13] =	ssyncadd.s32 $0xFFFFE000  }
0xb5: {  	[spmem:s8] =	stream.linear.scatter [tilespmem:s12], [sflag:$0x7], $0x2000, $0x38;
	[tilespmem:$0x1EF00] =	vst v63  }
0xb6: {  	_ =	swait.ge [sflag:s13], $0x2000  }
0xb7: {  	[sflag:s13] =	ssyncset.done $0x0  }
0xb8: {  	s9 =	rddreg [dreg:$0x1e];
	[sflag:s13] =	ssyncadd.s32 $0xFFFFE000  }
0xb9: {  	[spmem:s9] =	stream.linear.scatter [tilespmem:s12], [sflag:$0x7], $0x2000, $0x38;
	[tilespmem:$0x1EF00] =	vst v63  }
0xba: {  	_ =	swait.ge [sflag:s13], $0x2000  }
0xbb: {  	[sflag:s13] =	ssyncset.done $0x0  }
0xbc: {  	s10 =	rddreg [dreg:$0x1f];
	[sflag:s13] =	ssyncadd.s32 $0xFFFFE000  }
0xbd: {  	[spmem:s10] =	stream.linear.scatter [tilespmem:s12], [sflag:$0x7], $0x2000, $0x38;
	[tilespmem:$0x1EF00] =	vst v63  }
0xbe: {  	_ =	swait.ge [sflag:s13], $0x2000  }
0xbf: {  	s8 =	sld [smem:$0x7FB]  }
0xc0: {  	[sflag:s13] =	ssyncset.done $0x0  }
0xc1: {  	[sflag:s13] =	ssyncadd.s32 $0xFFFFE000  }
0xc2: {  	[spmem:s8] =	stream.linear.scatter [tilespmem:s12], [sflag:$0x7], $0x2000, $0x38;
	[tilespmem:$0x1EF00] =	vst v63  }
0xc3: {  	_ =	swait.ge [sflag:s13], $0x2000  }
0xc4: {  	s9 =	sld [smem:$0x7FC]  }
0xc5: {  	[sflag:s13] =	ssyncset.done $0x0  }
0xc6: {  	[sflag:s13] =	ssyncadd.s32 $0xFFFFE000  }
0xc7: {  	[spmem:s9] =	stream.linear.scatter [tilespmem:s12], [sflag:$0x7], $0x2000, $0x38;
	[tilespmem:$0x1EF00] =	vst v63  }
0xc8: {  	_ =	swait.ge [sflag:s13], $0x2000  }
0xc9: {  	s10 =	sld [smem:$0x7FD]  }
0xca: {  	[sflag:s13] =	ssyncset.done $0x0  }
0xcb: {  	[sflag:s13] =	ssyncadd.s32 $0xFFFFE000  }
0xcc: {  	[spmem:s10] =	stream.linear.scatter [tilespmem:s12], [sflag:$0x7], $0x2000, $0x38;
	[tilespmem:$0x1EF00] =	vst v63  }
0xcd: {  	_ =	swait.ge [sflag:s13], $0x2000  }
0xce: {  	[sflag:s13] =	ssyncset.done $0x0  }
.Ltmp2:
0xcf: {  	[sflag:s13] =	ssyncadd.s32 $0xFFFFE000;
	(pc) =	sbr.rel @p1 .LBB2_4-.Ltmp2, $4  }
0xd0: {  	[spmem:s11] =	stream.linear.scatter [tilespmem:s12], [sflag:$0x7], $0x2000, $0x38;
	[tilespmem:$0x1EF00] =	vst v63  }
0xd1: {  	_ =	swait.ge [sflag:s13], $0x2000  }
0xd2: {  	[sflag:s13] =	ssyncset.done $0x0  }
0xd3: {  	s7 =	smov.u32 s2;
	[sflag:s13] =	ssyncadd.s32 $0xFFFFE000  }
.Ltmp3:
0xd4: {  	(pc) =	sbr.rel @p2 .LBB2_5-.Ltmp3, $1  }
0xd5: {  	_ =	sdelay $0x3  }
0xd6: {  	s7 =	smov.u32 s3  }
.LBB2_4:
0xd7: {  	[spmem:s7] =	stream.linear.scatter [tilespmem:s12], [sflag:$0x7], $0x2000, $0x38;
	[tilespmem:$0x1EF00] =	vst v63  }
0xd8: {  	_ =	swait.ge [sflag:s13], $0x2000  }
0xd9: {  	[sflag:s13] =	ssyncset.done $0x0  }
0xda: {  	s8 =	sadd.s32 $0x2000, s7;
	[sflag:s13] =	ssyncadd.s32 $0xFFFFE000  }
0xdb: {  	[spmem:s8] =	stream.linear.scatter [tilespmem:s12], [sflag:$0x7], $0x2000, $0x38;
	[tilespmem:$0x1EF00] =	vst v63  }
0xdc: {  	_ =	swait.ge [sflag:s13], $0x2000  }
0xdd: {  	[sflag:s13] =	ssyncset.done $0x0  }
0xde: {  	s10 =	sadd.s32 $0x4000, s7;
	[sflag:s13] =	ssyncadd.s32 $0xFFFFE000  }
0xdf: {  	[spmem:s10] =	stream.linear.scatter [tilespmem:s12], [sflag:$0x7], $0x400, $0x38;
	[tilespmem:$0x1EF00] =	vst v63  }
0xe0: {  	_ =	swait.ge [sflag:s13], $0x400  }
0xe1: {  	[sflag:s13] =	ssyncset.done $0x0  }
0xe2: {  	[sflag:s13] =	ssyncadd.s32 $0xFFFFFC00  }
.LBB2_5:
0xe3: {  	[bflag:$0x0] =	sbarrier.arrive $0xFFFF  }
0xe4: {  	s7 =	simm.s32 $0x0;
	s8 =	rddreg [dreg:$0x5]  }
0xe5: {  	[tilespmem:s14], [sflag:$0x5] =	stream.linear.gather [hbm4b:s8+s7], $0x80, $0x38;
	[tilespmem:$0x1EF00] =	vst v63  }
0xe6: {  	s10 =	rddreg [dreg:$0x6]  }
0xe7: {  	[tilespmem:s20], [sflag:$0x5] =	stream.linear.gather [hbm4b:s10+s7], $0x80, $0x38;
	[tilespmem:$0x1EF00] =	vst v63  }
0xe8: {  	_ =	swait.ge [sflag:s21], $0x80  }
0xe9: {  	[sflag:s21] =	ssyncset.done $0x0  }
0xea: {  	[sflag:s21] =	ssyncadd.s32 $0xFFFFFF80  }
0xeb: {  	_ =	swait.ge [sflag:s21], $0x80  }
0xec: {  	[sflag:s21] =	ssyncset.done $0x0  }
0xed: {  	[sflag:s21] =	ssyncadd.s32 $0xFFFFFF80  }
0xee: {  	[tilespmem:s24], [sflag:$0x1] =	stream.indirect.gather [hbm4b:s19+s23], $0x80, s14, s23, $0xb8;
	[tilespmem:$0x1EF00] =	vst v63  }
0xef: {  	s9 =	rddreg [dreg:$0x7]  }
0xf0: {  	[tilespmem:s25], [sflag:$0x6] =	stream.linear.gather [hbm4b:s9+s7], $0x80, $0x38;
	[tilespmem:$0x1EF00] =	vst v63  }
0xf1: {  	s10 =	rddreg [dreg:$0x8]  }
0xf2: {  	[tilespmem:s26], [sflag:$0x6] =	stream.linear.gather [hbm4b:s10+s7], $0x80, $0x38;
	[tilespmem:$0x1EF00] =	vst v63  }
0xf3: {  	_ =	swait.ge [sflag:s28], $0x4000  }
0xf4: {  	[sflag:s28] =	ssyncset.done $0x0  }
0xf5: {  	[sflag:s28] =	ssyncadd.s32 $0xFFFFC000  }
0xf6: {  	[spmem:s1] =	stream.indirect.scatter.add.f32 [tilespmem:s24], [sflag:$0x3], $0x80, s20, s23, $0xb8;
	[tilespmem:$0x1EF00] =	vst v63  }
0xf7: {  	_ =	swait.ge [sflag:s29], $0x80  }
0xf8: {  	[sflag:s29] =	ssyncset.done $0x0  }
0xf9: {  	[sflag:s29] =	ssyncadd.s32 $0xFFFFFF80  }
0xfa: {  	_ =	swait.ge [sflag:s29], $0x80  }
0xfb: {  	[sflag:s29] =	ssyncset.done $0x0  }
0xfc: {  	[sflag:s29] =	ssyncadd.s32 $0xFFFFFF80  }
0xfd: {  	[tilespmem:s30], [sflag:$0x2] =	stream.indirect.gather [hbm4b:s19+s23], $0x80, s25, s23, $0xb8;
	[tilespmem:$0x1EF00] =	vst v63  }
0xfe: {  	_ =	swait.ge [sflag:s31], $0x4000  }
0xff: {  	[sflag:s31] =	ssyncset.done $0x0  }
0x100: {  	s9 =	rddreg [dreg:$0xe];
	[sflag:s31] =	ssyncadd.s32 $0xFFFFC000  }
0x101: {  	[tilespmem:s14], [sflag:$0x5] =	stream.linear.gather [hbm4b:s9+s7], $0x80, $0x38;
	[tilespmem:$0x1EF00] =	vst v63  }
0x102: {  	s10 =	rddreg [dreg:$0xf]  }
0x103: {  	[tilespmem:s20], [sflag:$0x5] =	stream.linear.gather [hbm4b:s10+s7], $0x80, $0x38;
	[tilespmem:$0x1EF00] =	vst v63  }
0x104: {  	_ =	swait.ge [sflag:s18], $0x4000  }
0x105: {  	[sflag:s18] =	ssyncset.done $0x0  }
0x106: {  	[sflag:s18] =	ssyncadd.s32 $0xFFFFC000  }
0x107: {  	[spmem:s1] =	stream.indirect.scatter.add.f32 [tilespmem:s30], [sflag:$0x4], $0x80, s26, s23, $0xb8;
	[tilespmem:$0x1EF00] =	vst v63  }
0x108: {  	_ =	swait.ge [sflag:s21], $0x80  }
0x109: {  	[sflag:s21] =	ssyncset.done $0x0  }
0x10a: {  	[sflag:s21] =	ssyncadd.s32 $0xFFFFFF80  }
0x10b: {  	_ =	swait.ge [sflag:s21], $0x80  }
0x10c: {  	[sflag:s21] =	ssyncset.done $0x0  }
0x10d: {  	[sflag:s21] =	ssyncadd.s32 $0xFFFFFF80  }
0x10e: {  	[tilespmem:s24], [sflag:$0x1] =	stream.indirect.gather [hbm4b:s19+s23], $0x80, s14, s23, $0xb8;
	[tilespmem:$0x1EF00] =	vst v63  }
.LBB2_6:
0x10f: {  	_ =	swait.ge [sflag:s0], $0x4000  }
0x110: {  	s8 =	sadd.s32 s7, s16;
	[sflag:s0] =	ssyncset.done $0x0  }
0x111: {  	s9 =	sadd.s32 $0x30, s8;
	[sflag:s0] =	ssyncadd.s32 $0xFFFFC000  }
0x112: {  	[tilespmem:s25], [sflag:$0x6] =	stream.linear.gather [hbm4b:s9+s15], $0x80, $0x38;
	[tilespmem:$0x1EF00] =	vst v63  }
0x113: {  	s9 =	sadd.s32 s7, s17  }
0x114: {  	s10 =	sadd.s32 $0x30, s9  }
0x115: {  	[tilespmem:s26], [sflag:$0x6] =	stream.linear.gather [hbm4b:s10+s15], $0x80, $0x38;
	[tilespmem:$0x1EF00] =	vst v63  }
0x116: {  	_ =	swait.ge [sflag:s28], $0x4000  }
0x117: {  	[sflag:s28] =	ssyncset.done $0x0  }
0x118: {  	[sflag:s28] =	ssyncadd.s32 $0xFFFFC000  }
0x119: {  	[spmem:s1] =	stream.indirect.scatter.add.f32 [tilespmem:s24], [sflag:$0x3], $0x80, s20, s23, $0xb8;
	[tilespmem:$0x1EF00] =	vst v63  }
0x11a: {  	_ =	swait.ge [sflag:s29], $0x80  }
0x11b: {  	[sflag:s29] =	ssyncset.done $0x0  }
0x11c: {  	[sflag:s29] =	ssyncadd.s32 $0xFFFFFF80  }
0x11d: {  	_ =	swait.ge [sflag:s29], $0x80  }
0x11e: {  	p3 =	seq.s32 s7, $0x4C0;
	[sflag:s29] =	ssyncset.done $0x0  }
.Ltmp4:
0x11f: {  	[sflag:s29] =	ssyncadd.s32 $0xFFFFFF80;
	(pc) =	sbr.rel @p3 .LBB2_8-.Ltmp4, $4  }
0x120: {  	[tilespmem:s30], [sflag:$0x2] =	stream.indirect.gather [hbm4b:s19+s23], $0x80, s25, s23, $0xb8;
	[tilespmem:$0x1EF00] =	vst v63  }
0x121: {  	_ =	swait.ge [sflag:s31], $0x4000  }
0x122: {  	[sflag:s31] =	ssyncset.done $0x0  }
0x123: {  	[sflag:s31] =	ssyncadd.s32 $0xFFFFC000  }
0x124: {  	s8 =	sadd.s32 $0x40, s8  }
0x125: {  	[tilespmem:s14], [sflag:$0x5] =	stream.linear.gather [hbm4b:s8+s15], $0x80, $0x38;
	[tilespmem:$0x1EF00] =	vst v63  }
0x126: {  	s10 =	sadd.s32 $0x40, s9  }
0x127: {  	[tilespmem:s20], [sflag:$0x5] =	stream.linear.gather [hbm4b:s10+s15], $0x80, $0x38;
	[tilespmem:$0x1EF00] =	vst v63  }
0x128: {  	_ =	swait.ge [sflag:s18], $0x4000  }
0x129: {  	[sflag:s18] =	ssyncset.done $0x0  }
0x12a: {  	[sflag:s18] =	ssyncadd.s32 $0xFFFFC000  }
0x12b: {  	[spmem:s1] =	stream.indirect.scatter.add.f32 [tilespmem:s30], [sflag:$0x4], $0x80, s26, s23, $0xb8;
	[tilespmem:$0x1EF00] =	vst v63  }
0x12c: {  	_ =	swait.ge [sflag:s21], $0x80  }
0x12d: {  	[sflag:s21] =	ssyncset.done $0x0  }
.Ltmp5:
0x12e: {  	[sflag:s21] =	ssyncadd.s32 $0xFFFFFF80;
	(pc) =	sbr.rel .LBB2_6-.Ltmp5, $4  }
0x12f: {  	_ =	swait.ge [sflag:s21], $0x80  }
0x130: {  	[sflag:s21] =	ssyncset.done $0x0  }
0x131: {  	s7 =	sadd.s32 $0x20, s7;
	[sflag:s21] =	ssyncadd.s32 $0xFFFFFF80  }
0x132: {  	[tilespmem:s24], [sflag:$0x1] =	stream.indirect.gather [hbm4b:s19+s23], $0x80, s14, s23, $0xb8;
	[tilespmem:$0x1EF00] =	vst v63  }
.LBB2_9:
0x133: {  	_ =	sfence.sel $0x180000  }
0x134: {  	[bflag:$0x0] =	sbarrier.arrive $0xFFFF  }
0x135: {  	_ =	strace $0x9000004A  }
0x136: {  	s0 =	stileid.u32;
	[bflag:$0x2] =	sbarrier.arrive $0xFFFF  }
0x137: {  	p0 =	sne.s32 s0, $0x0;
	s0 =	rddreg [dreg:$0x4]  }
0x138: {  	s0 =	sadd.s32 @!p0 $0x100000, s0  }
0x139: {  	[sflag:s0] =	ssyncadd.tile.s32 @!p0 $0x1;
	_ =	shalt  }
.Lfunc_end2:
_tile_overlayer_lowered:
.L_overlay_start_2:
0x13a: {  	(tag) =	ssettag $0x2  }
0x13b: {  	s0 =	rddreg [dreg:$0x0];
	s2 =	stileid.u32  }
0x13c: {  	s1 =	rddreg [dreg:$0x1];
	p0 =	sne.s32 s2, $0x0  }
0x13d: {  	s3 =	rddreg [dreg:$0x2];
	[bflag:$0x3] =	sbarrier.arrive $0xFFFF;
	s2 =	simm.s32 @!p0 $0x1C07  }
0x13e: {  	[timem:s3], [sflag:s2] =	dma.local @!p0 [hbm:s0], s1  }
0x13f: {  	s0 =	simm.s32 @!p0 $0x7  }
0x140: {  	_ =	swait.ge @!p0 [sflag:s0], s1  }
0x141: {  	s1 =	ssub.s32 @!p0 $0x0, s1;
	[sflag:s0] =	ssyncset.done @!p0 $0x0  }
0x142: {  	[sflag:s0] =	ssyncadd.s32 @!p0 s1  }
0x143: {  	[bflag:$0x3] =	sbarrier.arrive $0xFFFF  }
0x144: {  	_ =	shalt  }

// kernel: kernel.7.cloned.1.call-start
scs
__scs_entry_jumppad:
0x0: {  	(pc) =	sbr.rel $0x88, $3  }
0x1: {  	(tag) =	ssettag $0x0;
	lr =	simm.s32 $0x1  }
0x2: {  	[smem:$0x3F9C] =	sst lr;
	_ =	strace $0xD0000000  }
0x3: {  	_ = 	snop  }
0x4: {  	_ = 	snop  }
0x5: {  	_ = 	snop  }
0x6: {  	_ = 	snop  }
0x7: {  	_ = 	snop  }
__scs_overlays_trampoline_lowered:
0x8: {  	[smem:$0x3FAB] =	sst s0  }
0x9: {  	[smem:$0x3FAC] =	sst s1  }
0xa: {  	[smem:$0x3FAD] =	sst s2  }
0xb: {  	[smem:$0x3FAE] =	sst s3  }
0xc: {  	[smem:$0x3FAF] =	sst s4  }
0xd: {  	[smem:$0x3FB0] =	sst s5  }
0xe: {  	[smem:$0x3FB1] =	sst s6  }
0xf: {  	[smem:$0x3FB2] =	sst s7  }
0x10: {  	[smem:$0x3FB3] =	sst s8  }
0x11: {  	[smem:$0x3FB4] =	sst s9;
	s0 =	simm.s32 @!p0 $0x0  }
0x12: {  	s1 =	sld [smem:$0x3F9A];
	s0 =	simm.s32 @p0 $0x1  }
0x13: {  	[smem:$0x3FB5] =	sst s0;
	s0 =	simm.s32 @!p1 $0x0  }
0x14: {  	s2 =	sld [smem:$0x3F99];
	s0 =	simm.s32 @p1 $0x1  }
0x15: {  	[smem:$0x3FB6] =	sst s0;
	s0 =	simm.s32 @!p2 $0x0  }
0x16: {  	s3 =	sld [smem:$0x3FDB];
	s0 =	simm.s32 @p2 $0x1  }
0x17: {  	s4 =	simm.s32 $0x1BF5;
	[smem:$0x3FB8] =	sst s0  }
0x18: {  	s0 =	sld [smem:$0x3F9B];
	_ =	swait.ge [sflag:s4], $0x0  }
0x19: {  	s7 =	sld [smem:$0x3F9C]  }
0x1a: {  	s8 =	sadd.s32 $0xFFFFE003, lr  }
0x1b: {  	s9 =	sadd.s32 $0xFFFFFEF7, lr;
	s5 =	simm.s32 $0xFFFFFFFF;
	p2 =	slt.u32 s8, $0xFFFFF086  }
0x1c: {  	p1 =	slt.u32 s9, $0xF7A;
	s5 =	simm.s32 @!p2 $0x0  }
0x1d: {  	s5 =	simm.s32 @p1 $0x1;
	p0 =	seq.s32 s7, s2  }
0x1e: {  	s7 =	smul.u32 @!p0 $0xF7A, s2;
	p2 =	seq.s32 @!p0 s5, $0x0  }
0x1f: {  	s9 =	smul.u32 $0xF7A, s1;
	s8 =	simm.s32 @!p0 $0x1BF5;
	p2 =	por !p2, p0  }
0x20: {  	[sflag:s8] =	ssyncset.s32 @!p0 $0xFFFFF086;
	s6 =	sadd.s32 @!p0 s3, s7;
	s7 =	simm.s32 @!p0 $0x108  }
0x21: {  	s3 =	sadd.s32 s3, s9;
	s6 =	sadd.s32 @!p0 $0x88, s6;
	s7 =	simm.s32 @p2 $0x1082  }
0x22: {  	[simem:s7], [sflag:s8] =	dma.local @!p0 [hbm:s6], $0xF7A  }
0x23: {  	s9 =	sor.u32 $0xD0000000, s2;
	s6 =	simm.s32 $0x108;
	_ =	swait.ge @!p0 [sflag:s8], $0x0  }
0x24: {  	s3 =	sadd.s32 $0x88, s3;
	s6 =	simm.s32 @!p1 $0x1082;
	[sflag:s4] =	ssyncset.s32 $0xFFFFF086  }
0x25: {  	[simem:s6], [sflag:s4] =	dma.local [hbm:s3], $0xF7A  }
0x26: {  	[smem:$0x3F9C] =	sst s1;
	(tag) =	ssettag s2;
	_ =	strace s9  }
0x27: {  	s1 =	sld [smem:$0x3FAC]  }
0x28: {  	s2 =	sld [smem:$0x3FAD]  }
0x29: {  	s4 =	sld [smem:$0x3FAF]  }
0x2a: {  	p0 =	seq.s32 s5, $0x0;
	s5 =	sld [smem:$0x3FB0]  }
0x2b: {  	s6 =	sld [smem:$0x3FB1]  }
0x2c: {  	s7 =	sld [smem:$0x3FB2]  }
0x2d: {  	s3 =	simm.s32 $0x108;
	s8 =	sld [smem:$0x3FB3]  }
0x2e: {  	s3 =	simm.s32 @!p0 $0x1082;
	s9 =	sld [smem:$0x3FB4]  }
0x2f: {  	lr =	sadd.s32 s0, s3;
	s0 =	sld [smem:$0x3FAB]  }
0x30: {  	s3 =	sld [smem:$0x3FAE]  }
0x31: {  	[smem:$0x3FB7] =	sst s10  }
0x32: {  	s10 =	sld [smem:$0x3FB5];
	_ =	sdelay $0x3  }
0x33: {  	p0 =	seq.s32 s10, $0x1;
	s10 =	sld [smem:$0x3FB7];
	_ =	sdelay $0x3  }
0x34: {  	[smem:$0x3FB7] =	sst s10  }
0x35: {  	s10 =	sld [smem:$0x3FB6];
	_ =	sdelay $0x3  }
0x36: {  	p1 =	seq.s32 s10, $0x1;
	s10 =	sld [smem:$0x3FB7];
	_ =	sdelay $0x3  }
0x37: {  	[smem:$0x3FB7] =	sst s10  }
0x38: {  	s10 =	sld [smem:$0x3FB8]  }
0x39: {  	_ = 	snop;
	(pc) =	sbr.ind lr, $3  }
0x3a: {  	_ = 	snop  }
0x3b: {  	_ = 	snop  }
0x3c: {  	p2 =	seq.s32 s10, $0x1;
	s10 =	sld [smem:$0x3FB7]  }
0x3d: {  	_ =	shalt  }
0x3e: {  	_ =	shalt  }
0x3f: {  	_ =	shalt  }
0x40: {  	_ =	shalt  }
0x41: {  	_ =	shalt  }
0x42: {  	_ =	shalt  }
0x43: {  	_ =	shalt  }
0x44: {  	_ =	shalt  }
0x45: {  	_ =	shalt  }
0x46: {  	_ =	shalt  }
0x47: {  	_ =	shalt  }
0x48: {  	_ =	shalt  }
0x49: {  	_ =	shalt  }
0x4a: {  	_ =	shalt  }
0x4b: {  	_ =	shalt  }
0x4c: {  	_ =	shalt  }
0x4d: {  	_ =	shalt  }
0x4e: {  	_ =	shalt  }
0x4f: {  	_ =	shalt  }
0x50: {  	_ =	shalt  }
0x51: {  	_ =	shalt  }
0x52: {  	_ =	shalt  }
0x53: {  	_ =	shalt  }
0x54: {  	_ =	shalt  }
0x55: {  	_ =	shalt  }
0x56: {  	_ =	shalt  }
0x57: {  	_ =	shalt  }
0x58: {  	_ =	shalt  }
0x59: {  	_ =	shalt  }
0x5a: {  	_ =	shalt  }
0x5b: {  	_ =	shalt  }
0x5c: {  	_ =	shalt  }
0x5d: {  	_ =	shalt  }
0x5e: {  	_ =	shalt  }
0x5f: {  	_ =	shalt  }
0x60: {  	_ =	shalt  }
0x61: {  	_ =	shalt  }
0x62: {  	_ =	shalt  }
0x63: {  	_ =	shalt  }
0x64: {  	_ =	shalt  }
0x65: {  	_ =	shalt  }
0x66: {  	_ =	shalt  }
0x67: {  	_ =	shalt  }
0x68: {  	_ =	shalt  }
0x69: {  	_ =	shalt  }
0x6a: {  	_ =	shalt  }
0x6b: {  	_ =	shalt  }
0x6c: {  	_ =	shalt  }
0x6d: {  	_ =	shalt  }
0x6e: {  	_ =	shalt  }
0x6f: {  	_ =	shalt  }
0x70: {  	_ =	shalt  }
0x71: {  	_ =	shalt  }
0x72: {  	_ =	shalt  }
0x73: {  	_ =	shalt  }
0x74: {  	_ =	shalt  }
0x75: {  	_ =	shalt  }
0x76: {  	_ =	shalt  }
0x77: {  	_ =	shalt  }
0x78: {  	_ =	shalt  }
0x79: {  	_ =	shalt  }
0x7a: {  	_ =	shalt  }
0x7b: {  	_ =	shalt  }
0x7c: {  	_ =	shalt  }
0x7d: {  	_ =	shalt  }
0x7e: {  	_ =	shalt  }
0x7f: {  	_ =	shalt  }
0x80: {  	_ =	shalt  }
0x81: {  	_ =	shalt  }
0x82: {  	_ =	shalt  }
0x83: {  	_ =	shalt  }
0x84: {  	_ =	shalt  }
0x85: {  	_ =	shalt  }
0x86: {  	_ =	shalt  }
0x87: {  	_ =	shalt  }
.Lfunc_end0:
.L_simem_size_0:
called_computation_lowered:
.L_overlay_start_0:
0x88: {  	s2 =	sld [smem:$0x3FD9]  }
0x89: {  	s3 =	sld [smem:$0x3FFE];
	_ =	sdelay $0x1  }
0x8a: {  	s1 =	srdreg.scid  }
0x8b: {  	s0 =	sand.u32 $0x1, s1  }
0x8c: {  	s16 =	sshll.u32 s0, $0xA;
	s2 =	sadd.s32 s3, s2  }
0x8d: {  	s2 =	sadd.s32 s2, s16  }
0x8e: {  	[smem:$0x3FC3] =	sst s2  }
0x8f: {  	_ = 	snop  }
0x90: {  	(tm) =	ssettm $0x1  }
0x91: {  	s17 =	sld [smem:$0x3FFB];
	_ =	sdelay $0x3  }
0x92: {  	_ =	strace s17  }
0x93: {  	s2 =	sld [smem:$0x3FFC];
	_ =	sdelay $0x3  }
0x94: {  	_ =	strace s2  }
0x95: {  	s2 =	sld [smem:$0x3FFD];
	_ =	sdelay $0x3  }
0x96: {  	_ =	strace s2  }
0x97: {  	_ =	strace $0x8FFFFFFF  }
0x98: {  	s18 =	sld [smem:$0x3FDB];
	_ =	sdelay $0x1  }
0x99: {  	s19 =	simm.s32 $_scs_section_size  }
0x9a: {  	s4 =	simm.s32 $_size__tile_overlayer_lowered;
	s5 =	simm.s32 $_tile_overlayer_lowered  }
0x9b: {  	s22 =	simm.s32 $0x1BFF;
	s21 =	sshll.u32 s5, $0x1;
	s2 =	sadd.s32 s19, s18  }
0x9c: {  	s6 =	simm.s32 $0x0;
	s20 =	sshll.u32 s4, $0x1;
	s4 =	sadd.s32 s21, s2  }
0x9d: {  	[timem:s6], [sflag:s22] =	dma.local [hbm:s4], s20  }
0x9e: {  	_ =	swait.ge [sflag:s22], s20  }
0x9f: {  	s3 =	ssub.s32 $0x0, s20;
	[sflag:s22] =	ssyncset.done $0x0  }
0xa0: {  	[sflag:s22] =	ssyncadd.s32 s3;
	_ =	sdelay $0x1  }
0xa1: {  	s23 =	simm.s32 $0x1B8B  }
0xa2: {  	_ =	swait.ge [sflag:s23], $0x1  }
0xa3: {  	[sflag:s23] =	ssyncset.done $0x0  }
0xa4: {  	s25 =	simm.s32 $0x1B8E;
	s24 =	sld [smem:$0x3FFE];
	[sflag:s23] =	ssyncadd.s32 $0xFFFFFFFF  }
0xa5: {  	s26 =	simm.s32 $execute0_lowered;
	[smem:$0x3FD2] =	sst s25  }
0xa6: {  	s4 =	sshll.u32 s26, $0x1;
	_ =	strace $0x80000046;
	[dreg:$0x1] =	wrdreg $0xFFFFFFFF  }
0xa7: {  	s28 =	simm.s32 $_size_execute0_lowered;
	s2 =	sadd.s32 s2, s4;
	[dreg:$0x0] =	wrdreg $0x0  }
0xa8: {  	s4 =	sshll.u32 s28, $0x1;
	[dreg:$0x2] =	wrdreg s2  }
0xa9: {  	[dreg:$0x3] =	wrdreg s4  }
0xaa: {  	[dreg:$0x4] =	wrdreg $0xC0  }
0xab: {  	_ =	task [dreg:s6], $0x5FFFF  }
0xac: {  	[dreg:$0x1] =	wrdreg $0xFFFFFFFF  }
0xad: {  	[dreg:$0x0] =	wrdreg $0x60  }
0xae: {  	[dreg:$0x2] =	wrdreg s24  }
0xaf: {  	[dreg:$0x3] =	wrdreg $0x0  }
0xb0: {  	[dreg:$0x4] =	wrdreg $0x9  }
0xb1: {  	_ =	task.clear_ibuf [dreg:s6], $0x5FFFF;
	_ =	strace $0x90000046  }
0xb2: {  	s29 =	simm.s32 $0x9;
	_ =	strace $0x80000048  }
0xb3: {  	_ =	swait.ge [sflag:s29], $0x1  }
0xb4: {  	[sflag:s29] =	ssyncadd.s32 $0xFFFFFFFF  }
0xb5: {  	_ =	strace $0x90000048  }
0xb6: {  	_ =	sfence  }
0xb7: {  	s30 =	sld [smem:$0x0];
	_ =	sdelay $0x2  }
0xb8: {  	s31 =	sshll.u32 s1, $0xD;
	s1 =	sshrl.u32 s1, $0x2  }
0xb9: {  	s3 =	sand.u32 $0x4000, s31;
	s1 =	sadd.s32 s1, s30  }
0xba: {  	s0 =	sor.u32 s3, s0;
	s1 =	sshll.u32 s1, $0x11  }
0xbb: {  	s0 =	sor.u32 s1, s0  }
0xbc: {  	s0 =	sadd.s32 $0x8F2B, s0  }
0xbd: {  	[sflag:s0] =	ssyncadd.remote.s32 $0x1  }
0xbe: {  	_ =	sfence.sel $0xFFFF  }
0xbf: {  	[dreg:$0x0] =	wrdreg $0xFFFFFFFF;
	(pc) =	sbr.abs _section_cstart, $3  }
0xc0: {  	[dreg:$0x1] =	wrdreg $0xFFFFFFFF  }
0xc1: {  	_ =	task.clear_ibuf [dreg:s6], $0x2FFFF;
	_ =	strace $0x9FFFFFFF  }
0xc2: {  	(tm) =	ssettm $0x7FFFFFFF  }
0xc3: {  	_ =	shalt  }
tec
execute0_lowered:
.L_overlay_start_1:
0x0: {  	(tag) =	ssettag $0x1  }
0x1: {  	s0 =	rddreg [dreg:$0x0]  }
0x2: {  	s2 =	rddreg [dreg:$0x1]  }
0x3: {  	s3 =	simm.s32 $0x0;
	s1 =	srdreg.scid;
	s14 =	stileid.u32  }
0x4: {  	s31 =	simm.s32 $0x1C200;
	[smem:$0x7FF] =	sst s3;
	s1 =	sand.u32 $0x1, s1  }
0x5: {  	s5 =	smul.u32 $0x280, s14;
	s4 =	sadd.s32 $0x1000, s0;
	s7 =	sadd.s32 $0x33000, s0  }
0x6: {  	s8 =	sadd.s32 $0x29000, s0;
	s9 =	sadd.s32 $0x3D000, s0;
	s28 =	smul.u32 $0x50000, s14  }
0x7: {  	s26 =	sshll.u32 s14, $0x1;
	s22 =	smul.u32 $0xA00, s14;
	s14 =	simm.s32 $0x1  }
0x8: {  	_ =	strace $0x80000047;
	s6 =	smul.u32 $0x2800, s1;
	s10 =	ssub.s32 $0x2, s1  }
0x9: {  	[dreg:$0x3] =	wrdreg s9;
	s11 =	sshrl.u32 s10, $0x1;
	s9 =	sshrl.u32 s28, $0x2  }
0xa: {  	s5 =	sadd.s32 s6, s5;
	s6 =	sor.u32 s1, s26;
	s1 =	smul.u32 $0x500, s1  }
0xb: {  	s10 =	ssub.s32 s10, s11;
	s5 =	sshll.u32 s5, $0x4;
	s12 =	smul.u32 $0x500, s6  }
0xc: {  	s6 =	sadd.s32 s9, s2;
	s9 =	simm.s32 $0x14200;
	s0 =	sadd.s32 s5, s0  }
0xd: {  	s5 =	smax.u32 s10, $0x1;
	s15 =	sadd.s32 $0x2000, s6;
	s16 =	sadd.s32 $0x6000, s6  }
0xe: {  	s17 =	sadd.s32 $0xA000, s6;
	s28 =	sadd.s32 $0xE000, s6;
	[dreg:$0x6] =	wrdreg s5  }
0xf: {  	s29 =	sadd.s32 $0x10000, s6;
	s30 =	sadd.s32 $0x12000, s6;
	[dreg:$0x7] =	wrdreg s15  }
0x10: {  	s10 =	simm.s32 $0x14100;
	s11 =	sadd.s32 s8, s12;
	[dreg:$0x8] =	wrdreg s16  }
0x11: {  	s13 =	sadd.s32 s7, s12;
	[dreg:$0x9] =	wrdreg s17;
	s18 =	sor.u32 $0x10, s12  }
0x12: {  	s20 =	sor.u32 $0x20, s12;
	s23 =	sadd.s32 $0x3D400, s0;
	[dreg:$0x13] =	wrdreg s28  }
0x13: {  	s24 =	sadd.s32 $0x3DC00, s0;
	s25 =	sadd.s32 $0x3E400, s0;
	[dreg:$0x4] =	wrdreg s11  }
0x14: {  	s26 =	sadd.s32 $0x3EC00, s0;
	s0 =	sadd.s32 $0x3F400, s0;
	[dreg:$0x5] =	wrdreg s13  }
0x15: {  	s12 =	simm.s32 $0x14180;
	s15 =	simm.s32 $0x6;
	[dreg:$0xe] =	wrdreg s23  }
0x16: {  	s16 =	simm.s32 $0x18200;
	s17 =	simm.s32 $0x3;
	[dreg:$0xf] =	wrdreg s24  }
0x17: {  	s11 =	sadd.s32 $0x4000, s6;
	s13 =	sadd.s32 $0x8000, s6;
	[dreg:$0x10] =	wrdreg s25  }
0x18: {  	s19 =	sadd.s32 s8, s18;
	s5 =	sadd.s32 s7, s18;
	[dreg:$0x11] =	wrdreg s26  }
0x19: {  	s21 =	sadd.s32 s8, s20;
	s8 =	sadd.s32 s22, s8;
	[dreg:$0x12] =	wrdreg s0  }
0x1a: {  	s26 =	sadd.s32 $0xC000, s6;
	s0 =	simm.s32 $0x7;
	[dreg:$0xa] =	wrdreg s19  }
.Ltmp0:
0x1b: {  	s18 =	simm.s32 $0x2;
	[dreg:$0xb] =	wrdreg s5;
	(pc) =	sbr.rel .LBB2_1-.Ltmp0, $4  }
0x1c: {  	[dreg:$0xc] =	wrdreg s21;
	s5 =	sadd.s32 s7, s20;
	s19 =	simm.s32 $0x4  }
0x1d: {  	s20 =	simm.s32 $0x0;
	[dreg:$0xd] =	wrdreg s5;
	s5 =	sadd.s32 s22, s7  }
0x1e: {  	s22 =	sadd.s32 s1, s8;
	s7 =	simm.s32 $0x5;
	s8 =	simm.s32 $0x80  }
0x1f: {  	s23 =	sadd.s32 s1, s5;
	s1 =	simm.s32 $0x14000;
	s5 =	simm.s32 $0x14080  }
.LBB2_4:
0x20: {  	_ =	swait.ge [sflag:s18], $0x4000  }
0x21: {  	[sflag:s18] =	ssyncset.done $0x0  }
0x22: {  	[sflag:s18] =	ssyncadd.s32 $0xFFFFC000  }
0x23: {  	[spmem:s2] =	stream.indirect.scatter.add.f32 [tilespmem:s16], [sflag:$0x4], $0x80, s12, s8, $0xb8;
	[tilespmem:$0x1E200] =	vst v63  }
0x24: {  	_ =	swait.ge [sflag:s19], $0x4000  }
0x25: {  	[sflag:s19] =	ssyncset.done $0x0  }
0x26: {  	[sflag:s19] =	ssyncadd.s32 $0xFFFFC000  }
0x27: {  	[bflag:$0x0] =	sbarrier.arrive $0xFFFF  }
0x28: {  	[tilespmem:s9], [sflag:$0x7] =	stream.linear.gather [spmem:s6], $0x4000, $0x38;
	[tilespmem:$0x1E200] =	vst v63  }
0x29: {  	_ =	swait.ge [sflag:s0], $0x4000  }
0x2a: {  	[sflag:s0] =	ssyncset.done $0x0  }
0x2b: {  	s21 =	rddreg [dreg:$0xe];
	[sflag:s0] =	ssyncadd.s32 $0xFFFFC000  }
0x2c: {  	[hbm4b:s21+s3] =	stream.linear.scatter [tilespmem:s9], [sflag:$0x7], $0x4000, $0x38;
	[tilespmem:$0x1E200] =	vst v63  }
0x2d: {  	_ =	swait.ge [sflag:s0], $0x4000  }
0x2e: {  	[sflag:s0] =	ssyncset.done $0x0  }
0x2f: {  	[sflag:s0] =	ssyncadd.s32 $0xFFFFC000  }
0x30: {  	[tilespmem:s9], [sflag:$0x7] =	stream.linear.gather [spmem:s11], $0x4000, $0x38;
	[tilespmem:$0x1E200] =	vst v63  }
0x31: {  	_ =	swait.ge [sflag:s0], $0x4000  }
0x32: {  	[sflag:s0] =	ssyncset.done $0x0  }
0x33: {  	s25 =	rddreg [dreg:$0xf];
	[sflag:s0] =	ssyncadd.s32 $0xFFFFC000  }
0x34: {  	[hbm4b:s25+s3] =	stream.linear.scatter [tilespmem:s9], [sflag:$0x7], $0x4000, $0x38;
	[tilespmem:$0x1E200] =	vst v63  }
0x35: {  	_ =	swait.ge [sflag:s0], $0x4000  }
0x36: {  	[sflag:s0] =	ssyncset.done $0x0  }
0x37: {  	[sflag:s0] =	ssyncadd.s32 $0xFFFFC000  }
0x38: {  	[tilespmem:s9], [sflag:$0x7] =	stream.linear.gather [spmem:s13], $0x4000, $0x38;
	[tilespmem:$0x1E200] =	vst v63  }
0x39: {  	_ =	swait.ge [sflag:s0], $0x4000  }
0x3a: {  	[sflag:s0] =	ssyncset.done $0x0  }
0x3b: {  	s28 =	rddreg [dreg:$0x10];
	[sflag:s0] =	ssyncadd.s32 $0xFFFFC000  }
0x3c: {  	[hbm4b:s28+s3] =	stream.linear.scatter [tilespmem:s9], [sflag:$0x7], $0x4000, $0x38;
	[tilespmem:$0x1E200] =	vst v63  }
0x3d: {  	_ =	swait.ge [sflag:s0], $0x4000  }
0x3e: {  	[sflag:s0] =	ssyncset.done $0x0  }
0x3f: {  	[sflag:s0] =	ssyncadd.s32 $0xFFFFC000  }
0x40: {  	[tilespmem:s9], [sflag:$0x7] =	stream.linear.gather [spmem:s26], $0x4000, $0x38;
	[tilespmem:$0x1E200] =	vst v63  }
0x41: {  	_ =	swait.ge [sflag:s0], $0x4000  }
0x42: {  	[sflag:s0] =	ssyncset.done $0x0  }
0x43: {  	s24 =	rddreg [dreg:$0x11];
	[sflag:s0] =	ssyncadd.s32 $0xFFFFC000  }
0x44: {  	[hbm4b:s24+s3] =	stream.linear.scatter [tilespmem:s9], [sflag:$0x7], $0x4000, $0x38;
	[tilespmem:$0x1E200] =	vst v63  }
0x45: {  	_ =	swait.ge [sflag:s0], $0x4000  }
0x46: {  	[sflag:s0] =	ssyncset.done $0x0  }
0x47: {  	[sflag:s0] =	ssyncadd.s32 $0xFFFFC000  }
0x48: {  	[tilespmem:s9], [sflag:$0x7] =	stream.linear.gather [spmem:s29], $0x4000, $0x38;
	[tilespmem:$0x1E200] =	vst v63  }
0x49: {  	_ =	swait.ge [sflag:s0], $0x4000  }
0x4a: {  	[sflag:s0] =	ssyncset.done $0x0  }
0x4b: {  	s25 =	rddreg [dreg:$0x12];
	[sflag:s0] =	ssyncadd.s32 $0xFFFFC000  }
0x4c: {  	[hbm4b:s25+s3] =	stream.linear.scatter [tilespmem:s9], [sflag:$0x7], $0x4000, $0x38;
	[tilespmem:$0x1E200] =	vst v63  }
0x4d: {  	_ =	swait.ge [sflag:s0], $0x4000  }
0x4e: {  	s20 =	sadd.s32 $0x1, s20;
	s28 =	rddreg [dreg:$0x6]  }
0x4f: {  	p0 =	sne.s32 s20, s28  }
.Ltmp1:
0x50: {  	_ = 	snop;
	(pc) =	sbr.rel @!p0 .LBB2_5-.Ltmp1, $3  }
0x51: {  	_ =	sdelay $0x1  }
0x52: {  	[sflag:s0] =	ssyncset.done $0x0  }
0x53: {  	[sflag:s0] =	ssyncadd.s32 $0xFFFFC000  }
.LBB2_1:
0x54: {  	s21 =	rddreg [dreg:$0x3]  }
0x55: {  	[tilespmem:s31], [sflag:$0x7] =	stream.linear.gather [hbm4b:s21+s3], $0x2000, $0x38;
	[tilespmem:$0x1E200] =	vst v63  }
0x56: {  	_ =	swait.ge [sflag:s0], $0x2000  }
0x57: {  	[sflag:s0] =	ssyncset.done $0x0  }
0x58: {  	[sflag:s0] =	ssyncadd.s32 $0xFFFFE000  }
0x59: {  	[spmem:s6] =	stream.linear.scatter [tilespmem:s31], [sflag:$0x7], $0x2000, $0x38;
	[tilespmem:$0x1E200] =	vst v63  }
0x5a: {  	_ =	swait.ge [sflag:s0], $0x2000  }
0x5b: {  	[sflag:s0] =	ssyncset.done $0x0  }
0x5c: {  	s28 =	rddreg [dreg:$0x7];
	[sflag:s0] =	ssyncadd.s32 $0xFFFFE000  }
0x5d: {  	[spmem:s28] =	stream.linear.scatter [tilespmem:s31], [sflag:$0x7], $0x2000, $0x38;
	[tilespmem:$0x1E200] =	vst v63  }
0x5e: {  	_ =	swait.ge [sflag:s0], $0x2000  }
0x5f: {  	[sflag:s0] =	ssyncset.done $0x0  }
0x60: {  	[sflag:s0] =	ssyncadd.s32 $0xFFFFE000  }
0x61: {  	[spmem:s11] =	stream.linear.scatter [tilespmem:s31], [sflag:$0x7], $0x2000, $0x38;
	[tilespmem:$0x1E200] =	vst v63  }
0x62: {  	_ =	swait.ge [sflag:s0], $0x2000  }
0x63: {  	[sflag:s0] =	ssyncset.done $0x0  }
0x64: {  	s24 =	rddreg [dreg:$0x8];
	[sflag:s0] =	ssyncadd.s32 $0xFFFFE000  }
0x65: {  	[spmem:s24] =	stream.linear.scatter [tilespmem:s31], [sflag:$0x7], $0x2000, $0x38;
	[tilespmem:$0x1E200] =	vst v63  }
0x66: {  	_ =	swait.ge [sflag:s0], $0x2000  }
0x67: {  	[sflag:s0] =	ssyncset.done $0x0  }
0x68: {  	[sflag:s0] =	ssyncadd.s32 $0xFFFFE000  }
0x69: {  	[spmem:s13] =	stream.linear.scatter [tilespmem:s31], [sflag:$0x7], $0x2000, $0x38;
	[tilespmem:$0x1E200] =	vst v63  }
0x6a: {  	_ =	swait.ge [sflag:s0], $0x2000  }
0x6b: {  	[sflag:s0] =	ssyncset.done $0x0  }
0x6c: {  	s25 =	rddreg [dreg:$0x9];
	[sflag:s0] =	ssyncadd.s32 $0xFFFFE000  }
0x6d: {  	[spmem:s25] =	stream.linear.scatter [tilespmem:s31], [sflag:$0x7], $0x2000, $0x38;
	[tilespmem:$0x1E200] =	vst v63  }
0x6e: {  	_ =	swait.ge [sflag:s0], $0x2000  }
0x6f: {  	[sflag:s0] =	ssyncset.done $0x0  }
0x70: {  	[sflag:s0] =	ssyncadd.s32 $0xFFFFE000  }
0x71: {  	[spmem:s26] =	stream.linear.scatter [tilespmem:s31], [sflag:$0x7], $0x2000, $0x38;
	[tilespmem:$0x1E200] =	vst v63  }
0x72: {  	_ =	swait.ge [sflag:s0], $0x2000  }
0x73: {  	[sflag:s0] =	ssyncset.done $0x0  }
0x74: {  	s28 =	rddreg [dreg:$0x13];
	[sflag:s0] =	ssyncadd.s32 $0xFFFFE000  }
0x75: {  	[spmem:s28] =	stream.linear.scatter [tilespmem:s31], [sflag:$0x7], $0x2000, $0x38;
	[tilespmem:$0x1E200] =	vst v63  }
0x76: {  	_ =	swait.ge [sflag:s0], $0x2000  }
0x77: {  	[sflag:s0] =	ssyncset.done $0x0  }
0x78: {  	[sflag:s0] =	ssyncadd.s32 $0xFFFFE000  }
0x79: {  	[spmem:s29] =	stream.linear.scatter [tilespmem:s31], [sflag:$0x7], $0x2000, $0x38;
	[tilespmem:$0x1E200] =	vst v63  }
0x7a: {  	_ =	swait.ge [sflag:s0], $0x2000  }
0x7b: {  	[sflag:s0] =	ssyncset.done $0x0  }
0x7c: {  	[sflag:s0] =	ssyncadd.s32 $0xFFFFE000  }
0x7d: {  	[spmem:s30] =	stream.linear.scatter [tilespmem:s31], [sflag:$0x7], $0x2000, $0x38;
	[tilespmem:$0x1E200] =	vst v63  }
0x7e: {  	_ =	swait.ge [sflag:s0], $0x2000  }
0x7f: {  	[sflag:s0] =	ssyncset.done $0x0  }
0x80: {  	[sflag:s0] =	ssyncadd.s32 $0xFFFFE000  }
0x81: {  	[bflag:$0x0] =	sbarrier.arrive $0xFFFF  }
0x82: {  	s24 =	rddreg [dreg:$0x4]  }
0x83: {  	[tilespmem:s1], [sflag:$0x5] =	stream.linear.gather [hbm4b:s24+s3], $0x80, $0x38;
	[tilespmem:$0x1E200] =	vst v63  }
0x84: {  	s25 =	rddreg [dreg:$0x5]  }
0x85: {  	[tilespmem:s5], [sflag:$0x5] =	stream.linear.gather [hbm4b:s25+s3], $0x80, $0x38;
	[tilespmem:$0x1E200] =	vst v63  }
0x86: {  	_ =	swait.ge [sflag:s7], $0x80  }
0x87: {  	[sflag:s7] =	ssyncset.done $0x0  }
0x88: {  	[sflag:s7] =	ssyncadd.s32 $0xFFFFFF80  }
0x89: {  	_ =	swait.ge [sflag:s7], $0x80  }
0x8a: {  	[sflag:s7] =	ssyncset.done $0x0  }
0x8b: {  	[sflag:s7] =	ssyncadd.s32 $0xFFFFFF80  }
0x8c: {  	[tilespmem:s9], [sflag:$0x1] =	stream.indirect.gather [hbm4b:s4+s8], $0x80, s1, s8, $0xb8;
	[tilespmem:$0x1E200] =	vst v63  }
0x8d: {  	s28 =	rddreg [dreg:$0xa]  }
0x8e: {  	[tilespmem:s10], [sflag:$0x6] =	stream.linear.gather [hbm4b:s28+s3], $0x80, $0x38;
	[tilespmem:$0x1E200] =	vst v63  }
0x8f: {  	s24 =	rddreg [dreg:$0xb]  }
0x90: {  	[tilespmem:s12], [sflag:$0x6] =	stream.linear.gather [hbm4b:s24+s3], $0x80, $0x38;
	[tilespmem:$0x1E200] =	vst v63  }
0x91: {  	_ =	swait.ge [sflag:s14], $0x4000  }
0x92: {  	[sflag:s14] =	ssyncset.done $0x0  }
0x93: {  	[sflag:s14] =	ssyncadd.s32 $0xFFFFC000  }
0x94: {  	[spmem:s2] =	stream.indirect.scatter.add.f32 [tilespmem:s9], [sflag:$0x3], $0x80, s5, s8, $0xb8;
	[tilespmem:$0x1E200] =	vst v63  }
0x95: {  	_ =	swait.ge [sflag:s15], $0x80  }
0x96: {  	[sflag:s15] =	ssyncset.done $0x0  }
0x97: {  	[sflag:s15] =	ssyncadd.s32 $0xFFFFFF80  }
0x98: {  	_ =	swait.ge [sflag:s15], $0x80  }
0x99: {  	[sflag:s15] =	ssyncset.done $0x0  }
0x9a: {  	[sflag:s15] =	ssyncadd.s32 $0xFFFFFF80  }
0x9b: {  	[tilespmem:s16], [sflag:$0x2] =	stream.indirect.gather [hbm4b:s4+s8], $0x80, s10, s8, $0xb8;
	[tilespmem:$0x1E200] =	vst v63  }
0x9c: {  	_ =	swait.ge [sflag:s17], $0x4000  }
0x9d: {  	[sflag:s17] =	ssyncset.done $0x0  }
0x9e: {  	s25 =	rddreg [dreg:$0xc];
	[sflag:s17] =	ssyncadd.s32 $0xFFFFC000  }
0x9f: {  	[tilespmem:s1], [sflag:$0x5] =	stream.linear.gather [hbm4b:s25+s3], $0x80, $0x38;
	[tilespmem:$0x1E200] =	vst v63  }
0xa0: {  	s28 =	rddreg [dreg:$0xd]  }
0xa1: {  	[tilespmem:s5], [sflag:$0x5] =	stream.linear.gather [hbm4b:s28+s3], $0x80, $0x38;
	[tilespmem:$0x1E200] =	vst v63  }
0xa2: {  	_ =	swait.ge [sflag:s18], $0x4000  }
0xa3: {  	[sflag:s18] =	ssyncset.done $0x0  }
0xa4: {  	[sflag:s18] =	ssyncadd.s32 $0xFFFFC000  }
0xa5: {  	[spmem:s2] =	stream.indirect.scatter.add.f32 [tilespmem:s16], [sflag:$0x4], $0x80, s12, s8, $0xb8;
	[tilespmem:$0x1E200] =	vst v63  }
0xa6: {  	_ =	swait.ge [sflag:s7], $0x80  }
0xa7: {  	[sflag:s7] =	ssyncset.done $0x0  }
0xa8: {  	[sflag:s7] =	ssyncadd.s32 $0xFFFFFF80  }
0xa9: {  	_ =	swait.ge [sflag:s7], $0x80  }
0xaa: {  	[sflag:s7] =	ssyncset.done $0x0  }
0xab: {  	s21 =	simm.s32 $0x0;
	[sflag:s7] =	ssyncadd.s32 $0xFFFFFF80  }
0xac: {  	[tilespmem:s9], [sflag:$0x1] =	stream.indirect.gather [hbm4b:s4+s8], $0x80, s1, s8, $0xb8;
	[tilespmem:$0x1E200] =	vst v63  }
.LBB2_2:
0xad: {  	_ =	swait.ge [sflag:s19], $0x4000  }
0xae: {  	s24 =	sadd.s32 s21, s22;
	[sflag:s19] =	ssyncset.done $0x0  }
0xaf: {  	s25 =	sadd.s32 $0x30, s24;
	[sflag:s19] =	ssyncadd.s32 $0xFFFFC000  }
0xb0: {  	[tilespmem:s10], [sflag:$0x6] =	stream.linear.gather [hbm4b:s25+s3], $0x80, $0x38;
	[tilespmem:$0x1E200] =	vst v63  }
0xb1: {  	s25 =	sadd.s32 s21, s23  }
0xb2: {  	s28 =	sadd.s32 $0x30, s25  }
0xb3: {  	[tilespmem:s12], [sflag:$0x6] =	stream.linear.gather [hbm4b:s28+s3], $0x80, $0x38;
	[tilespmem:$0x1E200] =	vst v63  }
0xb4: {  	_ =	swait.ge [sflag:s14], $0x4000  }
0xb5: {  	[sflag:s14] =	ssyncset.done $0x0  }
0xb6: {  	[sflag:s14] =	ssyncadd.s32 $0xFFFFC000  }
0xb7: {  	[spmem:s2] =	stream.indirect.scatter.add.f32 [tilespmem:s9], [sflag:$0x3], $0x80, s5, s8, $0xb8;
	[tilespmem:$0x1E200] =	vst v63  }
0xb8: {  	_ =	swait.ge [sflag:s15], $0x80  }
0xb9: {  	[sflag:s15] =	ssyncset.done $0x0  }
0xba: {  	[sflag:s15] =	ssyncadd.s32 $0xFFFFFF80  }
0xbb: {  	_ =	swait.ge [sflag:s15], $0x80  }
0xbc: {  	p0 =	seq.s32 s21, $0x4C0;
	[sflag:s15] =	ssyncset.done $0x0  }
.Ltmp2:
0xbd: {  	[sflag:s15] =	ssyncadd.s32 $0xFFFFFF80;
	(pc) =	sbr.rel @p0 .LBB2_4-.Ltmp2, $4  }
0xbe: {  	[tilespmem:s16], [sflag:$0x2] =	stream.indirect.gather [hbm4b:s4+s8], $0x80, s10, s8, $0xb8;
	[tilespmem:$0x1E200] =	vst v63  }
0xbf: {  	_ =	swait.ge [sflag:s17], $0x4000  }
0xc0: {  	[sflag:s17] =	ssyncset.done $0x0  }
0xc1: {  	[sflag:s17] =	ssyncadd.s32 $0xFFFFC000  }
0xc2: {  	s24 =	sadd.s32 $0x40, s24  }
0xc3: {  	[tilespmem:s1], [sflag:$0x5] =	stream.linear.gather [hbm4b:s24+s3], $0x80, $0x38;
	[tilespmem:$0x1E200] =	vst v63  }
0xc4: {  	s28 =	sadd.s32 $0x40, s25  }
0xc5: {  	[tilespmem:s5], [sflag:$0x5] =	stream.linear.gather [hbm4b:s28+s3], $0x80, $0x38;
	[tilespmem:$0x1E200] =	vst v63  }
0xc6: {  	_ =	swait.ge [sflag:s18], $0x4000  }
0xc7: {  	[sflag:s18] =	ssyncset.done $0x0  }
0xc8: {  	[sflag:s18] =	ssyncadd.s32 $0xFFFFC000  }
0xc9: {  	[spmem:s2] =	stream.indirect.scatter.add.f32 [tilespmem:s16], [sflag:$0x4], $0x80, s12, s8, $0xb8;
	[tilespmem:$0x1E200] =	vst v63  }
0xca: {  	_ =	swait.ge [sflag:s7], $0x80  }
0xcb: {  	[sflag:s7] =	ssyncset.done $0x0  }
.Ltmp3:
0xcc: {  	[sflag:s7] =	ssyncadd.s32 $0xFFFFFF80;
	(pc) =	sbr.rel .LBB2_2-.Ltmp3, $4  }
0xcd: {  	_ =	swait.ge [sflag:s7], $0x80  }
0xce: {  	[sflag:s7] =	ssyncset.done $0x0  }
0xcf: {  	s21 =	sadd.s32 $0x20, s21;
	[sflag:s7] =	ssyncadd.s32 $0xFFFFFF80  }
0xd0: {  	[tilespmem:s9], [sflag:$0x1] =	stream.indirect.gather [hbm4b:s4+s8], $0x80, s1, s8, $0xb8;
	[tilespmem:$0x1E200] =	vst v63  }
.LBB2_5:
0xd1: {  	_ =	sfence.sel $0x180000  }
0xd2: {  	[bflag:$0x0] =	sbarrier.arrive $0xFFFF  }
0xd3: {  	_ =	strace $0x90000047  }
0xd4: {  	s0 =	stileid.u32;
	[bflag:$0x2] =	sbarrier.arrive $0xFFFF  }
0xd5: {  	p0 =	sne.s32 s0, $0x0;
	s0 =	rddreg [dreg:$0x2]  }
0xd6: {  	s0 =	sadd.s32 @!p0 $0x100000, s0  }
0xd7: {  	[sflag:s0] =	ssyncadd.tile.s32 @!p0 $0x1;
	_ =	shalt  }
.Lfunc_end2:
_tile_overlayer_lowered:
.L_overlay_start_2:
0xd8: {  	(tag) =	ssettag $0x2  }
0xd9: {  	s0 =	rddreg [dreg:$0x0];
	s2 =	stileid.u32  }
0xda: {  	s1 =	rddreg [dreg:$0x1];
	p0 =	sne.s32 s2, $0x0  }
0xdb: {  	s3 =	rddreg [dreg:$0x2];
	[bflag:$0x3] =	sbarrier.arrive $0xFFFF;
	s2 =	simm.s32 @!p0 $0x1C07  }
0xdc: {  	[timem:s3], [sflag:s2] =	dma.local @!p0 [hbm:s0], s1  }
0xdd: {  	s0 =	simm.s32 @!p0 $0x7  }
0xde: {  	_ =	swait.ge @!p0 [sflag:s0], s1  }
0xdf: {  	s1 =	ssub.s32 @!p0 $0x0, s1;
	[sflag:s0] =	ssyncset.done @!p0 $0x0  }
0xe0: {  	[sflag:s0] =	ssyncadd.s32 @!p0 s1  }
0xe1: {  	[bflag:$0x3] =	sbarrier.arrive $0xFFFF  }
0xe2: {  	_ =	shalt  }

</sc_bundles>
